<compile_context>
chip_gen: v7x
topology: tpu7x:2x2x1
jax: 0.10.2.dev20260603
libtpu: 0.0.44.dev20260713+nightly
codegen_flags: <defaults>
</compile_context>

<pallas_src>
import functools

import jax
import jax.numpy as jnp
from jax import lax
from jax.experimental import pallas as pl
from jax.experimental.pallas import tpu as pltpu
from jax.experimental.pallas import tpu_sc as plsc

D = 128
N_ITEM = 10000
N_USER = 10000
E = 320000

NS = 16
BLK = 176
NB = 114
E_PAD = NS * NB * BLK
ACC_ROWS = 10112
ROWS_PER_TILE = ACC_ROWS // NS


def _sc_aggregate(table, src_idx, dst_idx, zrows, ones_rows):
    mesh = plsc.VectorSubcoreMesh(core_axis_name="c", subcore_axis_name="s")

    @functools.partial(
        pl.kernel,
        out_type=(
            jax.ShapeDtypeStruct((2, ACC_ROWS, D), jnp.float32),
            jax.ShapeDtypeStruct((2, ACC_ROWS, D), jnp.float32),
        ),
        mesh=mesh,
        scratch_types=[
            pltpu.VMEM((BLK,), jnp.int32),
            pltpu.VMEM((BLK,), jnp.int32),
            pltpu.VMEM((BLK,), jnp.int32),
            pltpu.VMEM((BLK,), jnp.int32),
            pltpu.VMEM((BLK, D), jnp.float32),
            pltpu.VMEM((BLK, D), jnp.float32),
            pltpu.VMEM((16, D), jnp.float32),
            pltpu.VMEM_SHARED((ACC_ROWS, D), jnp.float32),
            pltpu.SemaphoreType.DMA,
            pltpu.SemaphoreType.DMA,
            pltpu.SemaphoreType.DMA,
            pltpu.SemaphoreType.DMA,
            pltpu.SemaphoreType.DMA,
            pltpu.SemaphoreType.DMA,
        ],
    )
    def k(table_hbm, src_hbm, dst_hbm, z_hbm, ones_hbm, feat_out, deg_out,
          src_a, src_b, dst_a, dst_b, rows_a, rows_b, zf_v, acc_f,
          isem_a, isem_b, gsem_a, gsem_b, ssem_a, ssem_b):
        cid = lax.axis_index("c")
        sid = lax.axis_index("s")

        pltpu.sync_copy(z_hbm, zf_v)

        def zero_acc():
            def zbody(t, carry):
                r = sid * ROWS_PER_TILE + t * 16
                pltpu.sync_copy(zf_v, acc_f.at[pl.ds(r, 16)])
                return carry

            lax.fori_loop(0, ROWS_PER_TILE // 16, zbody, 0)
            rem = ROWS_PER_TILE % 16
            if rem:
                r = sid * ROWS_PER_TILE + (ROWS_PER_TILE // 16) * 16
                pltpu.sync_copy(zf_v.at[pl.ds(0, rem)], acc_f.at[pl.ds(r, rem)])

        def dump(out_ref):
            r0 = sid * ROWS_PER_TILE
            pltpu.sync_copy(acc_f.at[pl.ds(r0, ROWS_PER_TILE)],
                            out_ref.at[cid, pl.ds(r0, ROWS_PER_TILE)])

        zero_acc()
        plsc.subcore_barrier()

        def fetch_idx(b, sv, dv, sem):
            s1 = pltpu.async_copy(src_hbm.at[cid, sid, b], sv, sem)
            s2 = pltpu.async_copy(dst_hbm.at[cid, sid, b], dv, sem)
            return s1, s2

        def wait_idx(sv, dv, sem):
            pltpu.make_async_copy(src_hbm.at[cid, sid, 0], sv, sem).wait()
            pltpu.make_async_copy(dst_hbm.at[cid, sid, 0], dv, sem).wait()

        pltpu.sync_copy(src_hbm.at[cid, sid, 0], src_a)
        pltpu.sync_copy(dst_hbm.at[cid, sid, 0], dst_a)
        fetch_idx(1, src_b, dst_b, isem_b)
        pltpu.async_copy(table_hbm.at[src_a], rows_a, gsem_a)

        def body(t, carry):
            b0 = 2 * t
            wait_idx(src_b, dst_b, isem_b)
            pltpu.async_copy(table_hbm.at[src_b], rows_b, gsem_b)
            pltpu.make_async_copy(table_hbm.at[src_a], rows_a, gsem_a).wait()
            pltpu.sync_copy(rows_a, acc_f.at[dst_a], add=True)

            @pl.when(t < NB // 2 - 1)
            def _():
                fetch_idx(b0 + 2, src_a, dst_a, isem_a)
                wait_idx(src_a, dst_a, isem_a)
                pltpu.async_copy(table_hbm.at[src_a], rows_a, gsem_a)

            pltpu.make_async_copy(table_hbm.at[src_b], rows_b, gsem_b).wait()
            pltpu.sync_copy(rows_b, acc_f.at[dst_b], add=True)

            @pl.when(t < NB // 2 - 1)
            def _():
                fetch_idx(b0 + 3, src_b, dst_b, isem_b)

            return carry

        lax.fori_loop(0, NB // 2, body, 0)
        plsc.subcore_barrier()
        dump(feat_out)
        plsc.subcore_barrier()

        zero_acc()
        pltpu.sync_copy(ones_hbm, rows_a)
        plsc.subcore_barrier()

        pltpu.sync_copy(dst_hbm.at[cid, sid, 0], dst_a)
        pltpu.async_copy(dst_hbm.at[cid, sid, 1], dst_b, isem_b)

        def dbody(t, carry):
            b0 = 2 * t
            s_a = pltpu.async_copy(rows_a, acc_f.at[dst_a], ssem_a, add=True)
            pltpu.make_async_copy(dst_hbm.at[cid, sid, 0], dst_b, isem_b).wait()
            s_b = pltpu.async_copy(rows_a, acc_f.at[dst_b], ssem_b, add=True)
            s_a.wait()

            @pl.when(t < NB // 2 - 1)
            def _():
                pltpu.async_copy(dst_hbm.at[cid, sid, b0 + 2], dst_a, isem_a)
                pltpu.make_async_copy(dst_hbm.at[cid, sid, 0], dst_a,
                                      isem_a).wait()

            s_b.wait()

            @pl.when(t < NB // 2 - 1)
            def _():
                pltpu.async_copy(dst_hbm.at[cid, sid, b0 + 3], dst_b, isem_b)

            return carry

        lax.fori_loop(0, NB // 2, dbody, 0)
        plsc.subcore_barrier()
        dump(deg_out)

    return k(table, src_idx, dst_idx, zrows, ones_rows)


def _tc_epilogue_body(feat, dall, wc, ws, out):
    deg0 = jnp.maximum(dall[0, :, 0:1], 1.0)
    deg1 = jnp.maximum(dall[1, :, 0:1], 1.0)
    a0 = feat[0] / deg0
    a1 = feat[1] / deg1
    dn = (((1,), (0,)), ((), ()))
    p = lax.dot_general(a0, wc[...], dn, precision=lax.Precision.HIGHEST,
                        preferred_element_type=jnp.float32)
    q = lax.dot_general(a1, ws[...], dn, precision=lax.Precision.HIGHEST,
                        preferred_element_type=jnp.float32)
    out[...] = 0.5 * (p + q)


def _tc_epilogue(feat, deg, W_clicks, W_similar):
    BR = 2528
    grid = (ACC_ROWS // BR,)
    out = pl.pallas_call(
        _tc_epilogue_body,
        grid=grid,
        in_specs=[
            pl.BlockSpec((2, BR, D), lambda i: (0, i, 0)),
            pl.BlockSpec((2, BR, D), lambda i: (0, i, 0)),
            pl.BlockSpec((D, D), lambda i: (0, 0)),
            pl.BlockSpec((D, D), lambda i: (0, 0)),
        ],
        out_specs=pl.BlockSpec((BR, D), lambda i: (i, 0)),
        out_shape=jax.ShapeDtypeStruct((ACC_ROWS, D), jnp.float32),
    )(feat, deg, W_clicks, W_similar)
    return out[:N_ITEM]


def kernel(x_user, x_item, edge_index_clicks, edge_index_similar,
           W_clicks, W_similar):
    table = jnp.concatenate([x_user, x_item], axis=0)

    src_c = edge_index_clicks[0].astype(jnp.int32)
    dst_c = edge_index_clicks[1].astype(jnp.int32)
    src_s = edge_index_similar[0].astype(jnp.int32) + N_USER
    dst_s = edge_index_similar[1].astype(jnp.int32)

    pad = E_PAD - E
    if pad:
        src_c = jnp.concatenate([src_c, jnp.zeros((pad,), jnp.int32)])
        src_s = jnp.concatenate([src_s, jnp.full((pad,), N_USER, jnp.int32)])
        dpad = jnp.full((pad,), N_ITEM, jnp.int32)
        dst_c = jnp.concatenate([dst_c, dpad])
        dst_s = jnp.concatenate([dst_s, dpad])

    src_idx = jnp.stack([src_c, src_s]).reshape(2, NS, NB, BLK)
    dst_idx = jnp.stack([dst_c, dst_s]).reshape(2, NS, NB, BLK)

    zrows = jnp.zeros((16, D), jnp.float32)
    ones_rows = jnp.ones((BLK, D), jnp.float32)

    feat, deg = _sc_aggregate(table, src_idx, dst_idx, zrows, ones_rows)
    return _tc_epilogue(feat, deg, W_clicks, W_similar)

# --- scband reference (transcript-rebuilt; emitter-appended) ---
"""Pipeline reference for scband-hetero-graph-conv-4037269258347 (READ-ONLY COPY).

The authoritative reference and input builder live on the scoring server;
editing this copy changes nothing except your own understanding.
"""

import jax, jax.numpy as jnp
import numpy as np

N_USER = 10000
N_ITEM = 10000
D = 128
E = 320000


def setup_inputs(seed: int = 0) -> dict:
    key = jax.random.key(seed)
    k1, k2, k3, k4, k5, k6 = jax.random.split(key, 6)
    x_user = jax.random.normal(k1, (N_USER, D), dtype=jnp.float32)
    x_item = jax.random.normal(k2, (N_ITEM, D), dtype=jnp.float32)
    # edge type ('user','clicks','item'): row 0 = src user ids, row 1 = dst item ids
    edge_index_clicks = jax.random.randint(k3, (2, E), 0, N_USER)
    # edge type ('item','similar','item'): row 0 = src item ids, row 1 = dst item ids
    edge_index_similar = jax.random.randint(k4, (2, E), 0, N_ITEM)
    # learned per-edge-type GraphConv weights (mean-aggregate then linear)
    W_clicks = jax.random.normal(k5, (D, D), dtype=jnp.float32) * 0.05
    W_similar = jax.random.normal(k6, (D, D), dtype=jnp.float32) * 0.05
    return {
        "x_user": x_user,
        "x_item": x_item,
        "edge_index_clicks": edge_index_clicks,
        "edge_index_similar": edge_index_similar,
        "W_clicks": W_clicks,
        "W_similar": W_similar,
    }


def _graph_conv(x_src, edge_index, W, n_dst):
    # mean aggregation over incoming edges, then linear projection
    src = edge_index[0]
    dst = edge_index[1]
    msgs = jnp.take(x_src, src, axis=0)
    agg = jax.ops.segment_sum(msgs, dst, num_segments=n_dst)
    deg = jax.ops.segment_sum(jnp.ones((edge_index.shape[1],), dtype=x_src.dtype), dst, num_segments=n_dst)
    agg = agg / jnp.clip(deg, 1.0, None)[:, None]
    return agg @ W


def reference(x_user, x_item, edge_index_clicks, edge_index_similar, W_clicks, W_similar):
    # HeteroGraphConv.forward over hblock = [(('user','clicks','item'), block1),
    #                                        (('item','similar','item'), block2)]
    counts = {}
    outputs = {}
    # relation 1: user --clicks--> item
    res = _graph_conv(x_user, edge_index_clicks, W_clicks, N_ITEM)
    outputs["item"] = jnp.zeros(res.shape, dtype=res.dtype)
    counts["item"] = 0
    counts["item"] += 1
    outputs["item"] = outputs["item"] + res
    # relation 2: item --similar--> item
    res = _graph_conv(x_item, edge_index_similar, W_similar, N_ITEM)
    counts["item"] += 1
    outputs["item"] = outputs["item"] + res
    # average over number of relations contributing to each dst type
    outputs["item"] = outputs["item"] / counts["item"]
    return outputs["item"]

if __name__ == "__main__":
    import jax
    _d = setup_inputs()
    print(jax.jit(kernel)(*tuple(_d.values())))

</pallas_src>

<mosaic_0001>
#map = affine_map<(d0, d1) -> (0, 0)>
#map1 = affine_map<(d0, d1) -> (0, 0, 0, 0)>
#map2 = affine_map<(d0, d1) -> (0, 0, 0)>
module attributes {stable_mosaic.version = 14 : i64} {
  func.func @k(%arg0: i32, %arg1: i32, %arg2: memref<20000x128xf32, #tpu.memory_space<hbm>>, %arg3: memref<2x16x114x176xi32, #tpu.memory_space<hbm>>, %arg4: memref<2x16x114x176xi32, #tpu.memory_space<hbm>>, %arg5: memref<16x128xf32, #tpu.memory_space<hbm>>, %arg6: memref<176x128xf32, #tpu.memory_space<hbm>>, %arg7: memref<2x10112x128xf32, #tpu.memory_space<hbm>>, %arg8: memref<2x10112x128xf32, #tpu.memory_space<hbm>>, %arg9: memref<176xi32, #tpu.memory_space<vmem>>, %arg10: memref<176xi32, #tpu.memory_space<vmem>>, %arg11: memref<176xi32, #tpu.memory_space<vmem>>, %arg12: memref<176xi32, #tpu.memory_space<vmem>>, %arg13: memref<176x128xf32, #tpu.memory_space<vmem>>, %arg14: memref<176x128xf32, #tpu.memory_space<vmem>>, %arg15: memref<16x128xf32, #tpu.memory_space<vmem>>, %arg16: memref<10112x128xf32, #tpu.memory_space<vmem_shared>>, %arg17: memref<!tpu.dma_semaphore, #tpu.memory_space<semaphore_mem>>, %arg18: memref<!tpu.dma_semaphore, #tpu.memory_space<semaphore_mem>>, %arg19: memref<!tpu.dma_semaphore, #tpu.memory_space<semaphore_mem>>, %arg20: memref<!tpu.dma_semaphore, #tpu.memory_space<semaphore_mem>>, %arg21: memref<!tpu.dma_semaphore, #tpu.memory_space<semaphore_mem>>, %arg22: memref<!tpu.dma_semaphore, #tpu.memory_space<semaphore_mem>>) attributes {dimension_semantics = [#tpu.dimension_semantics<core_parallel>, #tpu.dimension_semantics<subcore_parallel>], iteration_bounds = array<i64: 2, 16>, scalar_prefetch = 0 : i64, scratch_operands = 14 : i64, tpu.core_type = #tpu.core_type<sc_vector_subcore>, window_params = [{transform_indices = #map}, {transform_indices = #map1}, {transform_indices = #map1}, {transform_indices = #map}, {transform_indices = #map}, {transform_indices = #map2}, {transform_indices = #map2}]} {
    "tpu.region"() ({
      %run_scoped3A_62 = tpu.sem_alloc : memref<!tpu.dma_semaphore, #tpu.memory_space<semaphore_mem>>
      tpu.enqueue_dma source(%arg5 : memref<16x128xf32, #tpu.memory_space<hbm>>) target(%arg15 : memref<16x128xf32, #tpu.memory_space<vmem>>) target_semaphore(%run_scoped3A_62 : memref<!tpu.dma_semaphore, #tpu.memory_space<semaphore_mem>>)
      tpu.wait_dma2 semaphore(%run_scoped3A_62 : memref<!tpu.dma_semaphore, #tpu.memory_space<semaphore_mem>>) src(%arg5 : memref<16x128xf32, #tpu.memory_space<hbm>>) dst(%arg15 : memref<16x128xf32, #tpu.memory_space<vmem>>)
      tpu.yield
    }) : () -> ()
    %scan3A = arith.constant 0 : i32
    %scan3A_0 = arith.constant 0 : i32
    %scan3A_1 = arith.constant 39 : i32
    %scan3A_2 = arith.addi %scan3A_0, %scan3A_1 : i32
    %scan3A_3 = arith.constant 1 : i32
    scf.for %scan3A_62 = %scan3A_0 to %scan3A_2 step %scan3A_3  : i32 {
      %mul3A_63 = arith.constant 632 : i32
      %mul3A_64 = arith.muli %arg1, %mul3A_63 : i32
      %mul3A_65 = arith.constant 16 : i32
      %mul3A_66 = arith.muli %scan3A_62, %mul3A_65 : i32
      %add3A_67 = arith.addi %mul3A_64, %mul3A_66 : i32
      "tpu.region"() ({
        %run_scoped3A_68 = tpu.sem_alloc : memref<!tpu.dma_semaphore, #tpu.memory_space<semaphore_mem>>
        %dma_start3A_69 = arith.constant 0 : i32
        %dma_start3A_70 = tpu.memref_slice %arg16[%add3A_67, %dma_start3A_69] : memref<10112x128xf32, #tpu.memory_space<vmem_shared>> -> memref<16x128xf32, #tpu.memory_space<vmem_shared>>
        %dma_start3A_71 = arith.constant 0 : i32
        %dma_start3A_72 = tpu.memref_slice %arg16[%add3A_67, %dma_start3A_71] : memref<10112x128xf32, #tpu.memory_space<vmem_shared>> -> memref<16x128xf32, #tpu.memory_space<vmem_shared>>
        tpu.enqueue_dma source(%arg15 : memref<16x128xf32, #tpu.memory_space<vmem>>) target(%dma_start3A_72 : memref<16x128xf32, #tpu.memory_space<vmem_shared>>) target_semaphore(%run_scoped3A_68 : memref<!tpu.dma_semaphore, #tpu.memory_space<semaphore_mem>>)
        %dma_wait3A = arith.constant 0 : i32
        %dma_wait3A_73 = tpu.memref_slice %arg16[%add3A_67, %dma_wait3A] : memref<10112x128xf32, #tpu.memory_space<vmem_shared>> -> memref<16x128xf32, #tpu.memory_space<vmem_shared>>
        %dma_wait3A_74 = arith.constant 0 : i32
        %dma_wait3A_75 = tpu.memref_slice %arg16[%add3A_67, %dma_wait3A_74] : memref<10112x128xf32, #tpu.memory_space<vmem_shared>> -> memref<16x128xf32, #tpu.memory_space<vmem_shared>>
        tpu.wait_dma2 semaphore(%run_scoped3A_68 : memref<!tpu.dma_semaphore, #tpu.memory_space<semaphore_mem>>) src(%arg15 : memref<16x128xf32, #tpu.memory_space<vmem>>) dst(%dma_wait3A_75 : memref<16x128xf32, #tpu.memory_space<vmem_shared>>)
        tpu.yield
      }) : () -> ()
    }
    %scan3A_4 = arith.constant 39 : i32
    %mul3A = arith.constant 632 : i32
    %mul3A_5 = arith.muli %arg1, %mul3A : i32
    %add3A = arith.constant 624 : i32
    %add3A_6 = arith.addi %mul3A_5, %add3A : i32
    "tpu.region"() ({
      %run_scoped3A_62 = tpu.sem_alloc : memref<!tpu.dma_semaphore, #tpu.memory_space<semaphore_mem>>
      %dma_start3A_63 = arith.constant 0 : i32
      %dma_start3A_64 = arith.constant 0 : i32
      %dma_start3A_65 = tpu.memref_slice %arg15[%dma_start3A_63, %dma_start3A_64] : memref<16x128xf32, #tpu.memory_space<vmem>> -> memref<8x128xf32, #tpu.memory_space<vmem>>
      %dma_start3A_66 = arith.constant 0 : i32
      %dma_start3A_67 = tpu.memref_slice %arg16[%add3A_6, %dma_start3A_66] : memref<10112x128xf32, #tpu.memory_space<vmem_shared>> -> memref<8x128xf32, #tpu.memory_space<vmem_shared>>
      %dma_start3A_68 = arith.constant 0 : i32
      %dma_start3A_69 = tpu.memref_slice %arg16[%add3A_6, %dma_start3A_68] : memref<10112x128xf32, #tpu.memory_space<vmem_shared>> -> memref<8x128xf32, #tpu.memory_space<vmem_shared>>
      %dma_start3A_70 = arith.constant 0 : i32
      %dma_start3A_71 = arith.constant 0 : i32
      %dma_start3A_72 = tpu.memref_slice %arg15[%dma_start3A_70, %dma_start3A_71] : memref<16x128xf32, #tpu.memory_space<vmem>> -> memref<8x128xf32, #tpu.memory_space<vmem>>
      tpu.enqueue_dma source(%dma_start3A_72 : memref<8x128xf32, #tpu.memory_space<vmem>>) target(%dma_start3A_69 : memref<8x128xf32, #tpu.memory_space<vmem_shared>>) target_semaphore(%run_scoped3A_62 : memref<!tpu.dma_semaphore, #tpu.memory_space<semaphore_mem>>)
      %dma_wait3A = arith.constant 0 : i32
      %dma_wait3A_73 = arith.constant 0 : i32
      %dma_wait3A_74 = tpu.memref_slice %arg15[%dma_wait3A, %dma_wait3A_73] : memref<16x128xf32, #tpu.memory_space<vmem>> -> memref<8x128xf32, #tpu.memory_space<vmem>>
      %dma_wait3A_75 = arith.constant 0 : i32
      %dma_wait3A_76 = tpu.memref_slice %arg16[%add3A_6, %dma_wait3A_75] : memref<10112x128xf32, #tpu.memory_space<vmem_shared>> -> memref<8x128xf32, #tpu.memory_space<vmem_shared>>
      %dma_wait3A_77 = arith.constant 0 : i32
      %dma_wait3A_78 = tpu.memref_slice %arg16[%add3A_6, %dma_wait3A_77] : memref<10112x128xf32, #tpu.memory_space<vmem_shared>> -> memref<8x128xf32, #tpu.memory_space<vmem_shared>>
      %dma_wait3A_79 = arith.constant 0 : i32
      %dma_wait3A_80 = arith.constant 0 : i32
      %dma_wait3A_81 = tpu.memref_slice %arg15[%dma_wait3A_79, %dma_wait3A_80] : memref<16x128xf32, #tpu.memory_space<vmem>> -> memref<8x128xf32, #tpu.memory_space<vmem>>
      tpu.wait_dma2 semaphore(%run_scoped3A_62 : memref<!tpu.dma_semaphore, #tpu.memory_space<semaphore_mem>>) src(%dma_wait3A_81 : memref<8x128xf32, #tpu.memory_space<vmem>>) dst(%dma_wait3A_78 : memref<8x128xf32, #tpu.memory_space<vmem_shared>>)
      tpu.yield
    }) : () -> ()
    %barrier3A = arith.constant 0 : index
    tpu.barrier barrier_id(%barrier3A)
    %run_scoped3A = arith.constant 0 : i32
    "tpu.region"() ({
      %run_scoped3A_62 = tpu.sem_alloc : memref<!tpu.dma_semaphore, #tpu.memory_space<semaphore_mem>>
      %dma_start3A_63 = arith.constant 0 : i32
      %dma_start3A_64 = tpu.memref_slice %arg3[%arg0, %arg1, %run_scoped3A, %dma_start3A_63] : memref<2x16x114x176xi32, #tpu.memory_space<hbm>> -> memref<1x1x1x176xi32, #tpu.memory_space<hbm>>
      %dma_start3A_65 = tpu.memref_squeeze %dma_start3A_64 : memref<1x1x1x176xi32, #tpu.memory_space<hbm>> -> memref<176xi32, #tpu.memory_space<hbm>>
      %dma_start3A_66 = arith.constant 0 : i32
      %dma_start3A_67 = tpu.memref_slice %arg3[%arg0, %arg1, %run_scoped3A, %dma_start3A_66] : memref<2x16x114x176xi32, #tpu.memory_space<hbm>> -> memref<1x1x1x176xi32, #tpu.memory_space<hbm>>
      %dma_start3A_68 = tpu.memref_squeeze %dma_start3A_67 : memref<1x1x1x176xi32, #tpu.memory_space<hbm>> -> memref<176xi32, #tpu.memory_space<hbm>>
      tpu.enqueue_dma source(%dma_start3A_68 : memref<176xi32, #tpu.memory_space<hbm>>) target(%arg9 : memref<176xi32, #tpu.memory_space<vmem>>) target_semaphore(%run_scoped3A_62 : memref<!tpu.dma_semaphore, #tpu.memory_space<semaphore_mem>>)
      %dma_wait3A = arith.constant 0 : i32
      %dma_wait3A_69 = tpu.memref_slice %arg3[%arg0, %arg1, %run_scoped3A, %dma_wait3A] : memref<2x16x114x176xi32, #tpu.memory_space<hbm>> -> memref<1x1x1x176xi32, #tpu.memory_space<hbm>>
      %dma_wait3A_70 = tpu.memref_squeeze %dma_wait3A_69 : memref<1x1x1x176xi32, #tpu.memory_space<hbm>> -> memref<176xi32, #tpu.memory_space<hbm>>
      %dma_wait3A_71 = arith.constant 0 : i32
      %dma_wait3A_72 = tpu.memref_slice %arg3[%arg0, %arg1, %run_scoped3A, %dma_wait3A_71] : memref<2x16x114x176xi32, #tpu.memory_space<hbm>> -> memref<1x1x1x176xi32, #tpu.memory_space<hbm>>
      %dma_wait3A_73 = tpu.memref_squeeze %dma_wait3A_72 : memref<1x1x1x176xi32, #tpu.memory_space<hbm>> -> memref<176xi32, #tpu.memory_space<hbm>>
      tpu.wait_dma2 semaphore(%run_scoped3A_62 : memref<!tpu.dma_semaphore, #tpu.memory_space<semaphore_mem>>) src(%dma_wait3A_73 : memref<176xi32, #tpu.memory_space<hbm>>) dst(%arg9 : memref<176xi32, #tpu.memory_space<vmem>>)
      tpu.yield
    }) : () -> ()
    %run_scoped3A_7 = arith.constant 0 : i32
    "tpu.region"() ({
      %run_scoped3A_62 = tpu.sem_alloc : memref<!tpu.dma_semaphore, #tpu.memory_space<semaphore_mem>>
      %dma_start3A_63 = arith.constant 0 : i32
      %dma_start3A_64 = tpu.memref_slice %arg4[%arg0, %arg1, %run_scoped3A_7, %dma_start3A_63] : memref<2x16x114x176xi32, #tpu.memory_space<hbm>> -> memref<1x1x1x176xi32, #tpu.memory_space<hbm>>
      %dma_start3A_65 = tpu.memref_squeeze %dma_start3A_64 : memref<1x1x1x176xi32, #tpu.memory_space<hbm>> -> memref<176xi32, #tpu.memory_space<hbm>>
      %dma_start3A_66 = arith.constant 0 : i32
      %dma_start3A_67 = tpu.memref_slice %arg4[%arg0, %arg1, %run_scoped3A_7, %dma_start3A_66] : memref<2x16x114x176xi32, #tpu.memory_space<hbm>> -> memref<1x1x1x176xi32, #tpu.memory_space<hbm>>
      %dma_start3A_68 = tpu.memref_squeeze %dma_start3A_67 : memref<1x1x1x176xi32, #tpu.memory_space<hbm>> -> memref<176xi32, #tpu.memory_space<hbm>>
      tpu.enqueue_dma source(%dma_start3A_68 : memref<176xi32, #tpu.memory_space<hbm>>) target(%arg11 : memref<176xi32, #tpu.memory_space<vmem>>) target_semaphore(%run_scoped3A_62 : memref<!tpu.dma_semaphore, #tpu.memory_space<semaphore_mem>>)
      %dma_wait3A = arith.constant 0 : i32
      %dma_wait3A_69 = tpu.memref_slice %arg4[%arg0, %arg1, %run_scoped3A_7, %dma_wait3A] : memref<2x16x114x176xi32, #tpu.memory_space<hbm>> -> memref<1x1x1x176xi32, #tpu.memory_space<hbm>>
      %dma_wait3A_70 = tpu.memref_squeeze %dma_wait3A_69 : memref<1x1x1x176xi32, #tpu.memory_space<hbm>> -> memref<176xi32, #tpu.memory_space<hbm>>
      %dma_wait3A_71 = arith.constant 0 : i32
      %dma_wait3A_72 = tpu.memref_slice %arg4[%arg0, %arg1, %run_scoped3A_7, %dma_wait3A_71] : memref<2x16x114x176xi32, #tpu.memory_space<hbm>> -> memref<1x1x1x176xi32, #tpu.memory_space<hbm>>
      %dma_wait3A_73 = tpu.memref_squeeze %dma_wait3A_72 : memref<1x1x1x176xi32, #tpu.memory_space<hbm>> -> memref<176xi32, #tpu.memory_space<hbm>>
      tpu.wait_dma2 semaphore(%run_scoped3A_62 : memref<!tpu.dma_semaphore, #tpu.memory_space<semaphore_mem>>) src(%dma_wait3A_73 : memref<176xi32, #tpu.memory_space<hbm>>) dst(%arg11 : memref<176xi32, #tpu.memory_space<vmem>>)
      tpu.yield
    }) : () -> ()
    %dma_start3A = arith.constant 1 : i32
    %dma_start3A_8 = arith.constant 0 : i32
    %dma_start3A_9 = tpu.memref_slice %arg3[%arg0, %arg1, %dma_start3A, %dma_start3A_8] : memref<2x16x114x176xi32, #tpu.memory_space<hbm>> -> memref<1x1x1x176xi32, #tpu.memory_space<hbm>>
    %dma_start3A_10 = tpu.memref_squeeze %dma_start3A_9 : memref<1x1x1x176xi32, #tpu.memory_space<hbm>> -> memref<176xi32, #tpu.memory_space<hbm>>
    %dma_start3A_11 = arith.constant 0 : i32
    %dma_start3A_12 = tpu.memref_slice %arg3[%arg0, %arg1, %dma_start3A, %dma_start3A_11] : memref<2x16x114x176xi32, #tpu.memory_space<hbm>> -> memref<1x1x1x176xi32, #tpu.memory_space<hbm>>
    %dma_start3A_13 = tpu.memref_squeeze %dma_start3A_12 : memref<1x1x1x176xi32, #tpu.memory_space<hbm>> -> memref<176xi32, #tpu.memory_space<hbm>>
    tpu.enqueue_dma source(%dma_start3A_13 : memref<176xi32, #tpu.memory_space<hbm>>) target(%arg10 : memref<176xi32, #tpu.memory_space<vmem>>) target_semaphore(%arg18 : memref<!tpu.dma_semaphore, #tpu.memory_space<semaphore_mem>>)
    %dma_start3A_14 = arith.constant 1 : i32
    %dma_start3A_15 = arith.constant 0 : i32
    %dma_start3A_16 = tpu.memref_slice %arg4[%arg0, %arg1, %dma_start3A_14, %dma_start3A_15] : memref<2x16x114x176xi32, #tpu.memory_space<hbm>> -> memref<1x1x1x176xi32, #tpu.memory_space<hbm>>
    %dma_start3A_17 = tpu.memref_squeeze %dma_start3A_16 : memref<1x1x1x176xi32, #tpu.memory_space<hbm>> -> memref<176xi32, #tpu.memory_space<hbm>>
    %dma_start3A_18 = arith.constant 0 : i32
    %dma_start3A_19 = tpu.memref_slice %arg4[%arg0, %arg1, %dma_start3A_14, %dma_start3A_18] : memref<2x16x114x176xi32, #tpu.memory_space<hbm>> -> memref<1x1x1x176xi32, #tpu.memory_space<hbm>>
    %dma_start3A_20 = tpu.memref_squeeze %dma_start3A_19 : memref<1x1x1x176xi32, #tpu.memory_space<hbm>> -> memref<176xi32, #tpu.memory_space<hbm>>
    tpu.enqueue_dma source(%dma_start3A_20 : memref<176xi32, #tpu.memory_space<hbm>>) target(%arg12 : memref<176xi32, #tpu.memory_space<vmem>>) target_semaphore(%arg18 : memref<!tpu.dma_semaphore, #tpu.memory_space<semaphore_mem>>)
    %dma_start3A_21 = arith.constant 0 : i32
    %dma_start3A_22 = arith.constant 0 : i32
    %dma_start3A_23 = tpu.memref_slice %arg2[%dma_start3A_21, %dma_start3A_22] : memref<20000x128xf32, #tpu.memory_space<hbm>> -> memref<20000x128xf32, #tpu.memory_space<hbm>>
    tpu.enqueue_indirect_dma source(%dma_start3A_23 : memref<20000x128xf32, #tpu.memory_space<hbm>>) target(%arg13 : memref<176x128xf32, #tpu.memory_space<vmem>>) offsets(%arg9 : memref<176xi32, #tpu.memory_space<vmem>>) semaphore(%arg19 : memref<!tpu.dma_semaphore, #tpu.memory_space<semaphore_mem>>)
    %scan3A_24 = arith.constant 0 : i32
    %scan3A_25 = arith.constant 0 : i32
    %scan3A_26 = arith.constant 57 : i32
    %scan3A_27 = arith.addi %scan3A_25, %scan3A_26 : i32
    %scan3A_28 = arith.constant 1 : i32
    scf.for %scan3A_62 = %scan3A_25 to %scan3A_27 step %scan3A_28  : i32 {
      %mul3A_63 = arith.constant 2 : i32
      %mul3A_64 = arith.muli %mul3A_63, %scan3A_62 : i32
      %dma_wait3A = arith.constant 0 : i32
      %dma_wait3A_65 = arith.constant 0 : i32
      %dma_wait3A_66 = tpu.memref_slice %arg3[%arg0, %arg1, %dma_wait3A, %dma_wait3A_65] : memref<2x16x114x176xi32, #tpu.memory_space<hbm>> -> memref<1x1x1x176xi32, #tpu.memory_space<hbm>>
      %dma_wait3A_67 = tpu.memref_squeeze %dma_wait3A_66 : memref<1x1x1x176xi32, #tpu.memory_space<hbm>> -> memref<176xi32, #tpu.memory_space<hbm>>
      %dma_wait3A_68 = arith.constant 0 : i32
      %dma_wait3A_69 = tpu.memref_slice %arg3[%arg0, %arg1, %dma_wait3A, %dma_wait3A_68] : memref<2x16x114x176xi32, #tpu.memory_space<hbm>> -> memref<1x1x1x176xi32, #tpu.memory_space<hbm>>
      %dma_wait3A_70 = tpu.memref_squeeze %dma_wait3A_69 : memref<1x1x1x176xi32, #tpu.memory_space<hbm>> -> memref<176xi32, #tpu.memory_space<hbm>>
      tpu.wait_dma2 semaphore(%arg18 : memref<!tpu.dma_semaphore, #tpu.memory_space<semaphore_mem>>) src(%dma_wait3A_70 : memref<176xi32, #tpu.memory_space<hbm>>) dst(%arg10 : memref<176xi32, #tpu.memory_space<vmem>>)
      %dma_wait3A_71 = arith.constant 0 : i32
      %dma_wait3A_72 = arith.constant 0 : i32
      %dma_wait3A_73 = tpu.memref_slice %arg4[%arg0, %arg1, %dma_wait3A_71, %dma_wait3A_72] : memref<2x16x114x176xi32, #tpu.memory_space<hbm>> -> memref<1x1x1x176xi32, #tpu.memory_space<hbm>>
      %dma_wait3A_74 = tpu.memref_squeeze %dma_wait3A_73 : memref<1x1x1x176xi32, #tpu.memory_space<hbm>> -> memref<176xi32, #tpu.memory_space<hbm>>
      %dma_wait3A_75 = arith.constant 0 : i32
      %dma_wait3A_76 = tpu.memref_slice %arg4[%arg0, %arg1, %dma_wait3A_71, %dma_wait3A_75] : memref<2x16x114x176xi32, #tpu.memory_space<hbm>> -> memref<1x1x1x176xi32, #tpu.memory_space<hbm>>
      %dma_wait3A_77 = tpu.memref_squeeze %dma_wait3A_76 : memref<1x1x1x176xi32, #tpu.memory_space<hbm>> -> memref<176xi32, #tpu.memory_space<hbm>>
      tpu.wait_dma2 semaphore(%arg18 : memref<!tpu.dma_semaphore, #tpu.memory_space<semaphore_mem>>) src(%dma_wait3A_77 : memref<176xi32, #tpu.memory_space<hbm>>) dst(%arg12 : memref<176xi32, #tpu.memory_space<vmem>>)
      %dma_start3A_78 = arith.constant 0 : i32
      %dma_start3A_79 = arith.constant 0 : i32
      %dma_start3A_80 = tpu.memref_slice %arg2[%dma_start3A_78, %dma_start3A_79] : memref<20000x128xf32, #tpu.memory_space<hbm>> -> memref<20000x128xf32, #tpu.memory_space<hbm>>
      tpu.enqueue_indirect_dma source(%dma_start3A_80 : memref<20000x128xf32, #tpu.memory_space<hbm>>) target(%arg14 : memref<176x128xf32, #tpu.memory_space<vmem>>) offsets(%arg10 : memref<176xi32, #tpu.memory_space<vmem>>) semaphore(%arg20 : memref<!tpu.dma_semaphore, #tpu.memory_space<semaphore_mem>>)
      %dma_wait3A_81 = arith.constant 0 : i32
      %dma_wait3A_82 = arith.constant 0 : i32
      %dma_wait3A_83 = tpu.memref_slice %arg2[%dma_wait3A_81, %dma_wait3A_82] : memref<20000x128xf32, #tpu.memory_space<hbm>> -> memref<20000x128xf32, #tpu.memory_space<hbm>>
      tpu.wait_indirect_dma semaphore(%arg19 : memref<!tpu.dma_semaphore, #tpu.memory_space<semaphore_mem>>) src(%dma_wait3A_83 : memref<20000x128xf32, #tpu.memory_space<hbm>>) dst(%arg13 : memref<176x128xf32, #tpu.memory_space<vmem>>)
      "tpu.region"() ({
        %run_scoped3A_94 = tpu.sem_alloc : memref<!tpu.dma_semaphore, #tpu.memory_space<semaphore_mem>>
        %dma_start3A_95 = arith.constant 0 : i32
        %dma_start3A_96 = arith.constant 0 : i32
        %dma_start3A_97 = tpu.memref_slice %arg16[%dma_start3A_95, %dma_start3A_96] : memref<10112x128xf32, #tpu.memory_space<vmem_shared>> -> memref<10112x128xf32, #tpu.memory_space<vmem_shared>>
        tpu.enqueue_indirect_dma source(%arg13 : memref<176x128xf32, #tpu.memory_space<vmem>>) target(%dma_start3A_97 : memref<10112x128xf32, #tpu.memory_space<vmem_shared>>) offsets(%arg11 : memref<176xi32, #tpu.memory_space<vmem>>) semaphore(%run_scoped3A_94 : memref<!tpu.dma_semaphore, #tpu.memory_space<semaphore_mem>>) {add = true}
        %dma_wait3A_98 = arith.constant 0 : i32
        %dma_wait3A_99 = arith.constant 0 : i32
        %dma_wait3A_100 = tpu.memref_slice %arg16[%dma_wait3A_98, %dma_wait3A_99] : memref<10112x128xf32, #tpu.memory_space<vmem_shared>> -> memref<10112x128xf32, #tpu.memory_space<vmem_shared>>
        tpu.wait_indirect_dma semaphore(%run_scoped3A_94 : memref<!tpu.dma_semaphore, #tpu.memory_space<semaphore_mem>>) src(%arg13 : memref<176x128xf32, #tpu.memory_space<vmem>>) dst(%dma_wait3A_100 : memref<10112x128xf32, #tpu.memory_space<vmem_shared>>)
        tpu.yield
      }) : () -> ()
      %lt3A = arith.constant 56 : i32
      %lt3A_84 = arith.cmpi slt, %scan3A_62, %lt3A : i32
      %convert_element_type3A = arith.extui %lt3A_84 : i1 to i32
      %cond3A = arith.constant 0 : i32
      %cond3A_85 = arith.cmpi ne, %convert_element_type3A, %cond3A : i32
      scf.if %cond3A_85 {
        %add3A_94 = arith.constant 2 : i32
        %add3A_95 = arith.addi %mul3A_64, %add3A_94 : i32
        %dma_start3A_96 = arith.constant 0 : i32
        %dma_start3A_97 = tpu.memref_slice %arg3[%arg0, %arg1, %add3A_95, %dma_start3A_96] : memref<2x16x114x176xi32, #tpu.memory_space<hbm>> -> memref<1x1x1x176xi32, #tpu.memory_space<hbm>>
        %dma_start3A_98 = tpu.memref_squeeze %dma_start3A_97 : memref<1x1x1x176xi32, #tpu.memory_space<hbm>> -> memref<176xi32, #tpu.memory_space<hbm>>
        %dma_start3A_99 = arith.constant 0 : i32
        %dma_start3A_100 = tpu.memref_slice %arg3[%arg0, %arg1, %add3A_95, %dma_start3A_99] : memref<2x16x114x176xi32, #tpu.memory_space<hbm>> -> memref<1x1x1x176xi32, #tpu.memory_space<hbm>>
        %dma_start3A_101 = tpu.memref_squeeze %dma_start3A_100 : memref<1x1x1x176xi32, #tpu.memory_space<hbm>> -> memref<176xi32, #tpu.memory_space<hbm>>
        tpu.enqueue_dma source(%dma_start3A_101 : memref<176xi32, #tpu.memory_space<hbm>>) target(%arg9 : memref<176xi32, #tpu.memory_space<vmem>>) target_semaphore(%arg17 : memref<!tpu.dma_semaphore, #tpu.memory_space<semaphore_mem>>)
        %dma_start3A_102 = arith.constant 0 : i32
        %dma_start3A_103 = tpu.memref_slice %arg4[%arg0, %arg1, %add3A_95, %dma_start3A_102] : memref<2x16x114x176xi32, #tpu.memory_space<hbm>> -> memref<1x1x1x176xi32, #tpu.memory_space<hbm>>
        %dma_start3A_104 = tpu.memref_squeeze %dma_start3A_103 : memref<1x1x1x176xi32, #tpu.memory_space<hbm>> -> memref<176xi32, #tpu.memory_space<hbm>>
        %dma_start3A_105 = arith.constant 0 : i32
        %dma_start3A_106 = tpu.memref_slice %arg4[%arg0, %arg1, %add3A_95, %dma_start3A_105] : memref<2x16x114x176xi32, #tpu.memory_space<hbm>> -> memref<1x1x1x176xi32, #tpu.memory_space<hbm>>
        %dma_start3A_107 = tpu.memref_squeeze %dma_start3A_106 : memref<1x1x1x176xi32, #tpu.memory_space<hbm>> -> memref<176xi32, #tpu.memory_space<hbm>>
        tpu.enqueue_dma source(%dma_start3A_107 : memref<176xi32, #tpu.memory_space<hbm>>) target(%arg11 : memref<176xi32, #tpu.memory_space<vmem>>) target_semaphore(%arg17 : memref<!tpu.dma_semaphore, #tpu.memory_space<semaphore_mem>>)
        %dma_wait3A_108 = arith.constant 0 : i32
        %dma_wait3A_109 = arith.constant 0 : i32
        %dma_wait3A_110 = tpu.memref_slice %arg3[%arg0, %arg1, %dma_wait3A_108, %dma_wait3A_109] : memref<2x16x114x176xi32, #tpu.memory_space<hbm>> -> memref<1x1x1x176xi32, #tpu.memory_space<hbm>>
        %dma_wait3A_111 = tpu.memref_squeeze %dma_wait3A_110 : memref<1x1x1x176xi32, #tpu.memory_space<hbm>> -> memref<176xi32, #tpu.memory_space<hbm>>
        %dma_wait3A_112 = arith.constant 0 : i32
        %dma_wait3A_113 = tpu.memref_slice %arg3[%arg0, %arg1, %dma_wait3A_108, %dma_wait3A_112] : memref<2x16x114x176xi32, #tpu.memory_space<hbm>> -> memref<1x1x1x176xi32, #tpu.memory_space<hbm>>
        %dma_wait3A_114 = tpu.memref_squeeze %dma_wait3A_113 : memref<1x1x1x176xi32, #tpu.memory_space<hbm>> -> memref<176xi32, #tpu.memory_space<hbm>>
        tpu.wait_dma2 semaphore(%arg17 : memref<!tpu.dma_semaphore, #tpu.memory_space<semaphore_mem>>) src(%dma_wait3A_114 : memref<176xi32, #tpu.memory_space<hbm>>) dst(%arg9 : memref<176xi32, #tpu.memory_space<vmem>>)
        %dma_wait3A_115 = arith.constant 0 : i32
        %dma_wait3A_116 = arith.constant 0 : i32
        %dma_wait3A_117 = tpu.memref_slice %arg4[%arg0, %arg1, %dma_wait3A_115, %dma_wait3A_116] : memref<2x16x114x176xi32, #tpu.memory_space<hbm>> -> memref<1x1x1x176xi32, #tpu.memory_space<hbm>>
        %dma_wait3A_118 = tpu.memref_squeeze %dma_wait3A_117 : memref<1x1x1x176xi32, #tpu.memory_space<hbm>> -> memref<176xi32, #tpu.memory_space<hbm>>
        %dma_wait3A_119 = arith.constant 0 : i32
        %dma_wait3A_120 = tpu.memref_slice %arg4[%arg0, %arg1, %dma_wait3A_115, %dma_wait3A_119] : memref<2x16x114x176xi32, #tpu.memory_space<hbm>> -> memref<1x1x1x176xi32, #tpu.memory_space<hbm>>
        %dma_wait3A_121 = tpu.memref_squeeze %dma_wait3A_120 : memref<1x1x1x176xi32, #tpu.memory_space<hbm>> -> memref<176xi32, #tpu.memory_space<hbm>>
        tpu.wait_dma2 semaphore(%arg17 : memref<!tpu.dma_semaphore, #tpu.memory_space<semaphore_mem>>) src(%dma_wait3A_121 : memref<176xi32, #tpu.memory_space<hbm>>) dst(%arg11 : memref<176xi32, #tpu.memory_space<vmem>>)
        %dma_start3A_122 = arith.constant 0 : i32
        %dma_start3A_123 = arith.constant 0 : i32
        %dma_start3A_124 = tpu.memref_slice %arg2[%dma_start3A_122, %dma_start3A_123] : memref<20000x128xf32, #tpu.memory_space<hbm>> -> memref<20000x128xf32, #tpu.memory_space<hbm>>
        tpu.enqueue_indirect_dma source(%dma_start3A_124 : memref<20000x128xf32, #tpu.memory_space<hbm>>) target(%arg13 : memref<176x128xf32, #tpu.memory_space<vmem>>) offsets(%arg9 : memref<176xi32, #tpu.memory_space<vmem>>) semaphore(%arg19 : memref<!tpu.dma_semaphore, #tpu.memory_space<semaphore_mem>>)
      } else {
      }
      %dma_wait3A_86 = arith.constant 0 : i32
      %dma_wait3A_87 = arith.constant 0 : i32
      %dma_wait3A_88 = tpu.memref_slice %arg2[%dma_wait3A_86, %dma_wait3A_87] : memref<20000x128xf32, #tpu.memory_space<hbm>> -> memref<20000x128xf32, #tpu.memory_space<hbm>>
      tpu.wait_indirect_dma semaphore(%arg20 : memref<!tpu.dma_semaphore, #tpu.memory_space<semaphore_mem>>) src(%dma_wait3A_88 : memref<20000x128xf32, #tpu.memory_space<hbm>>) dst(%arg14 : memref<176x128xf32, #tpu.memory_space<vmem>>)
      "tpu.region"() ({
        %run_scoped3A_94 = tpu.sem_alloc : memref<!tpu.dma_semaphore, #tpu.memory_space<semaphore_mem>>
        %dma_start3A_95 = arith.constant 0 : i32
        %dma_start3A_96 = arith.constant 0 : i32
        %dma_start3A_97 = tpu.memref_slice %arg16[%dma_start3A_95, %dma_start3A_96] : memref<10112x128xf32, #tpu.memory_space<vmem_shared>> -> memref<10112x128xf32, #tpu.memory_space<vmem_shared>>
        tpu.enqueue_indirect_dma source(%arg14 : memref<176x128xf32, #tpu.memory_space<vmem>>) target(%dma_start3A_97 : memref<10112x128xf32, #tpu.memory_space<vmem_shared>>) offsets(%arg12 : memref<176xi32, #tpu.memory_space<vmem>>) semaphore(%run_scoped3A_94 : memref<!tpu.dma_semaphore, #tpu.memory_space<semaphore_mem>>) {add = true}
        %dma_wait3A_98 = arith.constant 0 : i32
        %dma_wait3A_99 = arith.constant 0 : i32
        %dma_wait3A_100 = tpu.memref_slice %arg16[%dma_wait3A_98, %dma_wait3A_99] : memref<10112x128xf32, #tpu.memory_space<vmem_shared>> -> memref<10112x128xf32, #tpu.memory_space<vmem_shared>>
        tpu.wait_indirect_dma semaphore(%run_scoped3A_94 : memref<!tpu.dma_semaphore, #tpu.memory_space<semaphore_mem>>) src(%arg14 : memref<176x128xf32, #tpu.memory_space<vmem>>) dst(%dma_wait3A_100 : memref<10112x128xf32, #tpu.memory_space<vmem_shared>>)
        tpu.yield
      }) : () -> ()
      %lt3A_89 = arith.constant 56 : i32
      %lt3A_90 = arith.cmpi slt, %scan3A_62, %lt3A_89 : i32
      %convert_element_type3A_91 = arith.extui %lt3A_90 : i1 to i32
      %cond3A_92 = arith.constant 0 : i32
      %cond3A_93 = arith.cmpi ne, %convert_element_type3A_91, %cond3A_92 : i32
      scf.if %cond3A_93 {
        %add3A_94 = arith.constant 3 : i32
        %add3A_95 = arith.addi %mul3A_64, %add3A_94 : i32
        %dma_start3A_96 = arith.constant 0 : i32
        %dma_start3A_97 = tpu.memref_slice %arg3[%arg0, %arg1, %add3A_95, %dma_start3A_96] : memref<2x16x114x176xi32, #tpu.memory_space<hbm>> -> memref<1x1x1x176xi32, #tpu.memory_space<hbm>>
        %dma_start3A_98 = tpu.memref_squeeze %dma_start3A_97 : memref<1x1x1x176xi32, #tpu.memory_space<hbm>> -> memref<176xi32, #tpu.memory_space<hbm>>
        %dma_start3A_99 = arith.constant 0 : i32
        %dma_start3A_100 = tpu.memref_slice %arg3[%arg0, %arg1, %add3A_95, %dma_start3A_99] : memref<2x16x114x176xi32, #tpu.memory_space<hbm>> -> memref<1x1x1x176xi32, #tpu.memory_space<hbm>>
        %dma_start3A_101 = tpu.memref_squeeze %dma_start3A_100 : memref<1x1x1x176xi32, #tpu.memory_space<hbm>> -> memref<176xi32, #tpu.memory_space<hbm>>
        tpu.enqueue_dma source(%dma_start3A_101 : memref<176xi32, #tpu.memory_space<hbm>>) target(%arg10 : memref<176xi32, #tpu.memory_space<vmem>>) target_semaphore(%arg18 : memref<!tpu.dma_semaphore, #tpu.memory_space<semaphore_mem>>)
        %dma_start3A_102 = arith.constant 0 : i32
        %dma_start3A_103 = tpu.memref_slice %arg4[%arg0, %arg1, %add3A_95, %dma_start3A_102] : memref<2x16x114x176xi32, #tpu.memory_space<hbm>> -> memref<1x1x1x176xi32, #tpu.memory_space<hbm>>
        %dma_start3A_104 = tpu.memref_squeeze %dma_start3A_103 : memref<1x1x1x176xi32, #tpu.memory_space<hbm>> -> memref<176xi32, #tpu.memory_space<hbm>>
        %dma_start3A_105 = arith.constant 0 : i32
        %dma_start3A_106 = tpu.memref_slice %arg4[%arg0, %arg1, %add3A_95, %dma_start3A_105] : memref<2x16x114x176xi32, #tpu.memory_space<hbm>> -> memref<1x1x1x176xi32, #tpu.memory_space<hbm>>
        %dma_start3A_107 = tpu.memref_squeeze %dma_start3A_106 : memref<1x1x1x176xi32, #tpu.memory_space<hbm>> -> memref<176xi32, #tpu.memory_space<hbm>>
        tpu.enqueue_dma source(%dma_start3A_107 : memref<176xi32, #tpu.memory_space<hbm>>) target(%arg12 : memref<176xi32, #tpu.memory_space<vmem>>) target_semaphore(%arg18 : memref<!tpu.dma_semaphore, #tpu.memory_space<semaphore_mem>>)
      } else {
      }
    }
    %scan3A_29 = arith.constant 57 : i32
    %barrier3A_30 = arith.constant 0 : index
    tpu.barrier barrier_id(%barrier3A_30)
    %mul3A_31 = arith.constant 632 : i32
    %mul3A_32 = arith.muli %arg1, %mul3A_31 : i32
    "tpu.region"() ({
      %run_scoped3A_62 = tpu.sem_alloc : memref<!tpu.dma_semaphore, #tpu.memory_space<semaphore_mem>>
      %dma_start3A_63 = arith.constant 0 : i32
      %dma_start3A_64 = tpu.memref_slice %arg7[%arg0, %mul3A_32, %dma_start3A_63] : memref<2x10112x128xf32, #tpu.memory_space<hbm>> -> memref<1x632x128xf32, #tpu.memory_space<hbm>>
      %dma_start3A_65 = tpu.memref_squeeze %dma_start3A_64 : memref<1x632x128xf32, #tpu.memory_space<hbm>> -> memref<632x128xf32, #tpu.memory_space<hbm>>
      %dma_start3A_66 = arith.constant 0 : i32
      %dma_start3A_67 = tpu.memref_slice %arg16[%mul3A_32, %dma_start3A_66] : memref<10112x128xf32, #tpu.memory_space<vmem_shared>> -> memref<632x128xf32, #tpu.memory_space<vmem_shared>>
      tpu.enqueue_dma source(%dma_start3A_67 : memref<632x128xf32, #tpu.memory_space<vmem_shared>>) target(%dma_start3A_65 : memref<632x128xf32, #tpu.memory_space<hbm>>) target_semaphore(%run_scoped3A_62 : memref<!tpu.dma_semaphore, #tpu.memory_space<semaphore_mem>>)
      %dma_wait3A = arith.constant 0 : i32
      %dma_wait3A_68 = tpu.memref_slice %arg7[%arg0, %mul3A_32, %dma_wait3A] : memref<2x10112x128xf32, #tpu.memory_space<hbm>> -> memref<1x632x128xf32, #tpu.memory_space<hbm>>
      %dma_wait3A_69 = tpu.memref_squeeze %dma_wait3A_68 : memref<1x632x128xf32, #tpu.memory_space<hbm>> -> memref<632x128xf32, #tpu.memory_space<hbm>>
      %dma_wait3A_70 = arith.constant 0 : i32
      %dma_wait3A_71 = tpu.memref_slice %arg16[%mul3A_32, %dma_wait3A_70] : memref<10112x128xf32, #tpu.memory_space<vmem_shared>> -> memref<632x128xf32, #tpu.memory_space<vmem_shared>>
      tpu.wait_dma2 semaphore(%run_scoped3A_62 : memref<!tpu.dma_semaphore, #tpu.memory_space<semaphore_mem>>) src(%dma_wait3A_71 : memref<632x128xf32, #tpu.memory_space<vmem_shared>>) dst(%dma_wait3A_69 : memref<632x128xf32, #tpu.memory_space<hbm>>)
      tpu.yield
    }) : () -> ()
    %barrier3A_33 = arith.constant 0 : index
    tpu.barrier barrier_id(%barrier3A_33)
    %scan3A_34 = arith.constant 0 : i32
    %scan3A_35 = arith.constant 0 : i32
    %scan3A_36 = arith.constant 39 : i32
    %scan3A_37 = arith.addi %scan3A_35, %scan3A_36 : i32
    %scan3A_38 = arith.constant 1 : i32
    scf.for %scan3A_62 = %scan3A_35 to %scan3A_37 step %scan3A_38  : i32 {
      %mul3A_63 = arith.constant 632 : i32
      %mul3A_64 = arith.muli %arg1, %mul3A_63 : i32
      %mul3A_65 = arith.constant 16 : i32
      %mul3A_66 = arith.muli %scan3A_62, %mul3A_65 : i32
      %add3A_67 = arith.addi %mul3A_64, %mul3A_66 : i32
      "tpu.region"() ({
        %run_scoped3A_68 = tpu.sem_alloc : memref<!tpu.dma_semaphore, #tpu.memory_space<semaphore_mem>>
        %dma_start3A_69 = arith.constant 0 : i32
        %dma_start3A_70 = tpu.memref_slice %arg16[%add3A_67, %dma_start3A_69] : memref<10112x128xf32, #tpu.memory_space<vmem_shared>> -> memref<16x128xf32, #tpu.memory_space<vmem_shared>>
        %dma_start3A_71 = arith.constant 0 : i32
        %dma_start3A_72 = tpu.memref_slice %arg16[%add3A_67, %dma_start3A_71] : memref<10112x128xf32, #tpu.memory_space<vmem_shared>> -> memref<16x128xf32, #tpu.memory_space<vmem_shared>>
        tpu.enqueue_dma source(%arg15 : memref<16x128xf32, #tpu.memory_space<vmem>>) target(%dma_start3A_72 : memref<16x128xf32, #tpu.memory_space<vmem_shared>>) target_semaphore(%run_scoped3A_68 : memref<!tpu.dma_semaphore, #tpu.memory_space<semaphore_mem>>)
        %dma_wait3A = arith.constant 0 : i32
        %dma_wait3A_73 = tpu.memref_slice %arg16[%add3A_67, %dma_wait3A] : memref<10112x128xf32, #tpu.memory_space<vmem_shared>> -> memref<16x128xf32, #tpu.memory_space<vmem_shared>>
        %dma_wait3A_74 = arith.constant 0 : i32
        %dma_wait3A_75 = tpu.memref_slice %arg16[%add3A_67, %dma_wait3A_74] : memref<10112x128xf32, #tpu.memory_space<vmem_shared>> -> memref<16x128xf32, #tpu.memory_space<vmem_shared>>
        tpu.wait_dma2 semaphore(%run_scoped3A_68 : memref<!tpu.dma_semaphore, #tpu.memory_space<semaphore_mem>>) src(%arg15 : memref<16x128xf32, #tpu.memory_space<vmem>>) dst(%dma_wait3A_75 : memref<16x128xf32, #tpu.memory_space<vmem_shared>>)
        tpu.yield
      }) : () -> ()
    }
    %scan3A_39 = arith.constant 39 : i32
    %mul3A_40 = arith.constant 632 : i32
    %mul3A_41 = arith.muli %arg1, %mul3A_40 : i32
    %add3A_42 = arith.constant 624 : i32
    %add3A_43 = arith.addi %mul3A_41, %add3A_42 : i32
    "tpu.region"() ({
      %run_scoped3A_62 = tpu.sem_alloc : memref<!tpu.dma_semaphore, #tpu.memory_space<semaphore_mem>>
      %dma_start3A_63 = arith.constant 0 : i32
      %dma_start3A_64 = arith.constant 0 : i32
      %dma_start3A_65 = tpu.memref_slice %arg15[%dma_start3A_63, %dma_start3A_64] : memref<16x128xf32, #tpu.memory_space<vmem>> -> memref<8x128xf32, #tpu.memory_space<vmem>>
      %dma_start3A_66 = arith.constant 0 : i32
      %dma_start3A_67 = tpu.memref_slice %arg16[%add3A_43, %dma_start3A_66] : memref<10112x128xf32, #tpu.memory_space<vmem_shared>> -> memref<8x128xf32, #tpu.memory_space<vmem_shared>>
      %dma_start3A_68 = arith.constant 0 : i32
      %dma_start3A_69 = tpu.memref_slice %arg16[%add3A_43, %dma_start3A_68] : memref<10112x128xf32, #tpu.memory_space<vmem_shared>> -> memref<8x128xf32, #tpu.memory_space<vmem_shared>>
      %dma_start3A_70 = arith.constant 0 : i32
      %dma_start3A_71 = arith.constant 0 : i32
      %dma_start3A_72 = tpu.memref_slice %arg15[%dma_start3A_70, %dma_start3A_71] : memref<16x128xf32, #tpu.memory_space<vmem>> -> memref<8x128xf32, #tpu.memory_space<vmem>>
      tpu.enqueue_dma source(%dma_start3A_72 : memref<8x128xf32, #tpu.memory_space<vmem>>) target(%dma_start3A_69 : memref<8x128xf32, #tpu.memory_space<vmem_shared>>) target_semaphore(%run_scoped3A_62 : memref<!tpu.dma_semaphore, #tpu.memory_space<semaphore_mem>>)
      %dma_wait3A = arith.constant 0 : i32
      %dma_wait3A_73 = arith.constant 0 : i32
      %dma_wait3A_74 = tpu.memref_slice %arg15[%dma_wait3A, %dma_wait3A_73] : memref<16x128xf32, #tpu.memory_space<vmem>> -> memref<8x128xf32, #tpu.memory_space<vmem>>
      %dma_wait3A_75 = arith.constant 0 : i32
      %dma_wait3A_76 = tpu.memref_slice %arg16[%add3A_43, %dma_wait3A_75] : memref<10112x128xf32, #tpu.memory_space<vmem_shared>> -> memref<8x128xf32, #tpu.memory_space<vmem_shared>>
      %dma_wait3A_77 = arith.constant 0 : i32
      %dma_wait3A_78 = tpu.memref_slice %arg16[%add3A_43, %dma_wait3A_77] : memref<10112x128xf32, #tpu.memory_space<vmem_shared>> -> memref<8x128xf32, #tpu.memory_space<vmem_shared>>
      %dma_wait3A_79 = arith.constant 0 : i32
      %dma_wait3A_80 = arith.constant 0 : i32
      %dma_wait3A_81 = tpu.memref_slice %arg15[%dma_wait3A_79, %dma_wait3A_80] : memref<16x128xf32, #tpu.memory_space<vmem>> -> memref<8x128xf32, #tpu.memory_space<vmem>>
      tpu.wait_dma2 semaphore(%run_scoped3A_62 : memref<!tpu.dma_semaphore, #tpu.memory_space<semaphore_mem>>) src(%dma_wait3A_81 : memref<8x128xf32, #tpu.memory_space<vmem>>) dst(%dma_wait3A_78 : memref<8x128xf32, #tpu.memory_space<vmem_shared>>)
      tpu.yield
    }) : () -> ()
    "tpu.region"() ({
      %run_scoped3A_62 = tpu.sem_alloc : memref<!tpu.dma_semaphore, #tpu.memory_space<semaphore_mem>>
      tpu.enqueue_dma source(%arg6 : memref<176x128xf32, #tpu.memory_space<hbm>>) target(%arg13 : memref<176x128xf32, #tpu.memory_space<vmem>>) target_semaphore(%run_scoped3A_62 : memref<!tpu.dma_semaphore, #tpu.memory_space<semaphore_mem>>)
      tpu.wait_dma2 semaphore(%run_scoped3A_62 : memref<!tpu.dma_semaphore, #tpu.memory_space<semaphore_mem>>) src(%arg6 : memref<176x128xf32, #tpu.memory_space<hbm>>) dst(%arg13 : memref<176x128xf32, #tpu.memory_space<vmem>>)
      tpu.yield
    }) : () -> ()
    %barrier3A_44 = arith.constant 0 : index
    tpu.barrier barrier_id(%barrier3A_44)
    %run_scoped3A_45 = arith.constant 0 : i32
    "tpu.region"() ({
      %run_scoped3A_62 = tpu.sem_alloc : memref<!tpu.dma_semaphore, #tpu.memory_space<semaphore_mem>>
      %dma_start3A_63 = arith.constant 0 : i32
      %dma_start3A_64 = tpu.memref_slice %arg4[%arg0, %arg1, %run_scoped3A_45, %dma_start3A_63] : memref<2x16x114x176xi32, #tpu.memory_space<hbm>> -> memref<1x1x1x176xi32, #tpu.memory_space<hbm>>
      %dma_start3A_65 = tpu.memref_squeeze %dma_start3A_64 : memref<1x1x1x176xi32, #tpu.memory_space<hbm>> -> memref<176xi32, #tpu.memory_space<hbm>>
      %dma_start3A_66 = arith.constant 0 : i32
      %dma_start3A_67 = tpu.memref_slice %arg4[%arg0, %arg1, %run_scoped3A_45, %dma_start3A_66] : memref<2x16x114x176xi32, #tpu.memory_space<hbm>> -> memref<1x1x1x176xi32, #tpu.memory_space<hbm>>
      %dma_start3A_68 = tpu.memref_squeeze %dma_start3A_67 : memref<1x1x1x176xi32, #tpu.memory_space<hbm>> -> memref<176xi32, #tpu.memory_space<hbm>>
      tpu.enqueue_dma source(%dma_start3A_68 : memref<176xi32, #tpu.memory_space<hbm>>) target(%arg11 : memref<176xi32, #tpu.memory_space<vmem>>) target_semaphore(%run_scoped3A_62 : memref<!tpu.dma_semaphore, #tpu.memory_space<semaphore_mem>>)
      %dma_wait3A = arith.constant 0 : i32
      %dma_wait3A_69 = tpu.memref_slice %arg4[%arg0, %arg1, %run_scoped3A_45, %dma_wait3A] : memref<2x16x114x176xi32, #tpu.memory_space<hbm>> -> memref<1x1x1x176xi32, #tpu.memory_space<hbm>>
      %dma_wait3A_70 = tpu.memref_squeeze %dma_wait3A_69 : memref<1x1x1x176xi32, #tpu.memory_space<hbm>> -> memref<176xi32, #tpu.memory_space<hbm>>
      %dma_wait3A_71 = arith.constant 0 : i32
      %dma_wait3A_72 = tpu.memref_slice %arg4[%arg0, %arg1, %run_scoped3A_45, %dma_wait3A_71] : memref<2x16x114x176xi32, #tpu.memory_space<hbm>> -> memref<1x1x1x176xi32, #tpu.memory_space<hbm>>
      %dma_wait3A_73 = tpu.memref_squeeze %dma_wait3A_72 : memref<1x1x1x176xi32, #tpu.memory_space<hbm>> -> memref<176xi32, #tpu.memory_space<hbm>>
      tpu.wait_dma2 semaphore(%run_scoped3A_62 : memref<!tpu.dma_semaphore, #tpu.memory_space<semaphore_mem>>) src(%dma_wait3A_73 : memref<176xi32, #tpu.memory_space<hbm>>) dst(%arg11 : memref<176xi32, #tpu.memory_space<vmem>>)
      tpu.yield
    }) : () -> ()
    %dma_start3A_46 = arith.constant 1 : i32
    %dma_start3A_47 = arith.constant 0 : i32
    %dma_start3A_48 = tpu.memref_slice %arg4[%arg0, %arg1, %dma_start3A_46, %dma_start3A_47] : memref<2x16x114x176xi32, #tpu.memory_space<hbm>> -> memref<1x1x1x176xi32, #tpu.memory_space<hbm>>
    %dma_start3A_49 = tpu.memref_squeeze %dma_start3A_48 : memref<1x1x1x176xi32, #tpu.memory_space<hbm>> -> memref<176xi32, #tpu.memory_space<hbm>>
    %dma_start3A_50 = arith.constant 0 : i32
    %dma_start3A_51 = tpu.memref_slice %arg4[%arg0, %arg1, %dma_start3A_46, %dma_start3A_50] : memref<2x16x114x176xi32, #tpu.memory_space<hbm>> -> memref<1x1x1x176xi32, #tpu.memory_space<hbm>>
    %dma_start3A_52 = tpu.memref_squeeze %dma_start3A_51 : memref<1x1x1x176xi32, #tpu.memory_space<hbm>> -> memref<176xi32, #tpu.memory_space<hbm>>
    tpu.enqueue_dma source(%dma_start3A_52 : memref<176xi32, #tpu.memory_space<hbm>>) target(%arg12 : memref<176xi32, #tpu.memory_space<vmem>>) target_semaphore(%arg18 : memref<!tpu.dma_semaphore, #tpu.memory_space<semaphore_mem>>)
    %scan3A_53 = arith.constant 0 : i32
    %scan3A_54 = arith.constant 0 : i32
    %scan3A_55 = arith.constant 57 : i32
    %scan3A_56 = arith.addi %scan3A_54, %scan3A_55 : i32
    %scan3A_57 = arith.constant 1 : i32
    scf.for %scan3A_62 = %scan3A_54 to %scan3A_56 step %scan3A_57  : i32 {
      %mul3A_63 = arith.constant 2 : i32
      %mul3A_64 = arith.muli %mul3A_63, %scan3A_62 : i32
      %dma_start3A_65 = arith.constant 0 : i32
      %dma_start3A_66 = arith.constant 0 : i32
      %dma_start3A_67 = tpu.memref_slice %arg16[%dma_start3A_65, %dma_start3A_66] : memref<10112x128xf32, #tpu.memory_space<vmem_shared>> -> memref<10112x128xf32, #tpu.memory_space<vmem_shared>>
      tpu.enqueue_indirect_dma source(%arg13 : memref<176x128xf32, #tpu.memory_space<vmem>>) target(%dma_start3A_67 : memref<10112x128xf32, #tpu.memory_space<vmem_shared>>) offsets(%arg11 : memref<176xi32, #tpu.memory_space<vmem>>) semaphore(%arg21 : memref<!tpu.dma_semaphore, #tpu.memory_space<semaphore_mem>>) {add = true}
      %dma_wait3A = arith.constant 0 : i32
      %dma_wait3A_68 = arith.constant 0 : i32
      %dma_wait3A_69 = tpu.memref_slice %arg4[%arg0, %arg1, %dma_wait3A, %dma_wait3A_68] : memref<2x16x114x176xi32, #tpu.memory_space<hbm>> -> memref<1x1x1x176xi32, #tpu.memory_space<hbm>>
      %dma_wait3A_70 = tpu.memref_squeeze %dma_wait3A_69 : memref<1x1x1x176xi32, #tpu.memory_space<hbm>> -> memref<176xi32, #tpu.memory_space<hbm>>
      %dma_wait3A_71 = arith.constant 0 : i32
      %dma_wait3A_72 = tpu.memref_slice %arg4[%arg0, %arg1, %dma_wait3A, %dma_wait3A_71] : memref<2x16x114x176xi32, #tpu.memory_space<hbm>> -> memref<1x1x1x176xi32, #tpu.memory_space<hbm>>
      %dma_wait3A_73 = tpu.memref_squeeze %dma_wait3A_72 : memref<1x1x1x176xi32, #tpu.memory_space<hbm>> -> memref<176xi32, #tpu.memory_space<hbm>>
      tpu.wait_dma2 semaphore(%arg18 : memref<!tpu.dma_semaphore, #tpu.memory_space<semaphore_mem>>) src(%dma_wait3A_73 : memref<176xi32, #tpu.memory_space<hbm>>) dst(%arg12 : memref<176xi32, #tpu.memory_space<vmem>>)
      %dma_start3A_74 = arith.constant 0 : i32
      %dma_start3A_75 = arith.constant 0 : i32
      %dma_start3A_76 = tpu.memref_slice %arg16[%dma_start3A_74, %dma_start3A_75] : memref<10112x128xf32, #tpu.memory_space<vmem_shared>> -> memref<10112x128xf32, #tpu.memory_space<vmem_shared>>
      tpu.enqueue_indirect_dma source(%arg13 : memref<176x128xf32, #tpu.memory_space<vmem>>) target(%dma_start3A_76 : memref<10112x128xf32, #tpu.memory_space<vmem_shared>>) offsets(%arg12 : memref<176xi32, #tpu.memory_space<vmem>>) semaphore(%arg22 : memref<!tpu.dma_semaphore, #tpu.memory_space<semaphore_mem>>) {add = true}
      %dma_wait3A_77 = arith.constant 0 : i32
      %dma_wait3A_78 = arith.constant 0 : i32
      %dma_wait3A_79 = tpu.memref_slice %arg16[%dma_wait3A_77, %dma_wait3A_78] : memref<10112x128xf32, #tpu.memory_space<vmem_shared>> -> memref<10112x128xf32, #tpu.memory_space<vmem_shared>>
      tpu.wait_indirect_dma semaphore(%arg21 : memref<!tpu.dma_semaphore, #tpu.memory_space<semaphore_mem>>) src(%arg13 : memref<176x128xf32, #tpu.memory_space<vmem>>) dst(%dma_wait3A_79 : memref<10112x128xf32, #tpu.memory_space<vmem_shared>>)
      %lt3A = arith.constant 56 : i32
      %lt3A_80 = arith.cmpi slt, %scan3A_62, %lt3A : i32
      %convert_element_type3A = arith.extui %lt3A_80 : i1 to i32
      %cond3A = arith.constant 0 : i32
      %cond3A_81 = arith.cmpi ne, %convert_element_type3A, %cond3A : i32
      scf.if %cond3A_81 {
        %add3A_90 = arith.constant 2 : i32
        %add3A_91 = arith.addi %mul3A_64, %add3A_90 : i32
        %dma_start3A_92 = arith.constant 0 : i32
        %dma_start3A_93 = tpu.memref_slice %arg4[%arg0, %arg1, %add3A_91, %dma_start3A_92] : memref<2x16x114x176xi32, #tpu.memory_space<hbm>> -> memref<1x1x1x176xi32, #tpu.memory_space<hbm>>
        %dma_start3A_94 = tpu.memref_squeeze %dma_start3A_93 : memref<1x1x1x176xi32, #tpu.memory_space<hbm>> -> memref<176xi32, #tpu.memory_space<hbm>>
        %dma_start3A_95 = arith.constant 0 : i32
        %dma_start3A_96 = tpu.memref_slice %arg4[%arg0, %arg1, %add3A_91, %dma_start3A_95] : memref<2x16x114x176xi32, #tpu.memory_space<hbm>> -> memref<1x1x1x176xi32, #tpu.memory_space<hbm>>
        %dma_start3A_97 = tpu.memref_squeeze %dma_start3A_96 : memref<1x1x1x176xi32, #tpu.memory_space<hbm>> -> memref<176xi32, #tpu.memory_space<hbm>>
        tpu.enqueue_dma source(%dma_start3A_97 : memref<176xi32, #tpu.memory_space<hbm>>) target(%arg11 : memref<176xi32, #tpu.memory_space<vmem>>) target_semaphore(%arg17 : memref<!tpu.dma_semaphore, #tpu.memory_space<semaphore_mem>>)
        %dma_wait3A_98 = arith.constant 0 : i32
        %dma_wait3A_99 = arith.constant 0 : i32
        %dma_wait3A_100 = tpu.memref_slice %arg4[%arg0, %arg1, %dma_wait3A_98, %dma_wait3A_99] : memref<2x16x114x176xi32, #tpu.memory_space<hbm>> -> memref<1x1x1x176xi32, #tpu.memory_space<hbm>>
        %dma_wait3A_101 = tpu.memref_squeeze %dma_wait3A_100 : memref<1x1x1x176xi32, #tpu.memory_space<hbm>> -> memref<176xi32, #tpu.memory_space<hbm>>
        %dma_wait3A_102 = arith.constant 0 : i32
        %dma_wait3A_103 = tpu.memref_slice %arg4[%arg0, %arg1, %dma_wait3A_98, %dma_wait3A_102] : memref<2x16x114x176xi32, #tpu.memory_space<hbm>> -> memref<1x1x1x176xi32, #tpu.memory_space<hbm>>
        %dma_wait3A_104 = tpu.memref_squeeze %dma_wait3A_103 : memref<1x1x1x176xi32, #tpu.memory_space<hbm>> -> memref<176xi32, #tpu.memory_space<hbm>>
        tpu.wait_dma2 semaphore(%arg17 : memref<!tpu.dma_semaphore, #tpu.memory_space<semaphore_mem>>) src(%dma_wait3A_104 : memref<176xi32, #tpu.memory_space<hbm>>) dst(%arg11 : memref<176xi32, #tpu.memory_space<vmem>>)
      } else {
      }
      %dma_wait3A_82 = arith.constant 0 : i32
      %dma_wait3A_83 = arith.constant 0 : i32
      %dma_wait3A_84 = tpu.memref_slice %arg16[%dma_wait3A_82, %dma_wait3A_83] : memref<10112x128xf32, #tpu.memory_space<vmem_shared>> -> memref<10112x128xf32, #tpu.memory_space<vmem_shared>>
      tpu.wait_indirect_dma semaphore(%arg22 : memref<!tpu.dma_semaphore, #tpu.memory_space<semaphore_mem>>) src(%arg13 : memref<176x128xf32, #tpu.memory_space<vmem>>) dst(%dma_wait3A_84 : memref<10112x128xf32, #tpu.memory_space<vmem_shared>>)
      %lt3A_85 = arith.constant 56 : i32
      %lt3A_86 = arith.cmpi slt, %scan3A_62, %lt3A_85 : i32
      %convert_element_type3A_87 = arith.extui %lt3A_86 : i1 to i32
      %cond3A_88 = arith.constant 0 : i32
      %cond3A_89 = arith.cmpi ne, %convert_element_type3A_87, %cond3A_88 : i32
      scf.if %cond3A_89 {
        %add3A_90 = arith.constant 3 : i32
        %add3A_91 = arith.addi %mul3A_64, %add3A_90 : i32
        %dma_start3A_92 = arith.constant 0 : i32
        %dma_start3A_93 = tpu.memref_slice %arg4[%arg0, %arg1, %add3A_91, %dma_start3A_92] : memref<2x16x114x176xi32, #tpu.memory_space<hbm>> -> memref<1x1x1x176xi32, #tpu.memory_space<hbm>>
        %dma_start3A_94 = tpu.memref_squeeze %dma_start3A_93 : memref<1x1x1x176xi32, #tpu.memory_space<hbm>> -> memref<176xi32, #tpu.memory_space<hbm>>
        %dma_start3A_95 = arith.constant 0 : i32
        %dma_start3A_96 = tpu.memref_slice %arg4[%arg0, %arg1, %add3A_91, %dma_start3A_95] : memref<2x16x114x176xi32, #tpu.memory_space<hbm>> -> memref<1x1x1x176xi32, #tpu.memory_space<hbm>>
        %dma_start3A_97 = tpu.memref_squeeze %dma_start3A_96 : memref<1x1x1x176xi32, #tpu.memory_space<hbm>> -> memref<176xi32, #tpu.memory_space<hbm>>
        tpu.enqueue_dma source(%dma_start3A_97 : memref<176xi32, #tpu.memory_space<hbm>>) target(%arg12 : memref<176xi32, #tpu.memory_space<vmem>>) target_semaphore(%arg18 : memref<!tpu.dma_semaphore, #tpu.memory_space<semaphore_mem>>)
      } else {
      }
    }
    %scan3A_58 = arith.constant 57 : i32
    %barrier3A_59 = arith.constant 0 : index
    tpu.barrier barrier_id(%barrier3A_59)
    %mul3A_60 = arith.constant 632 : i32
    %mul3A_61 = arith.muli %arg1, %mul3A_60 : i32
    "tpu.region"() ({
      %run_scoped3A_62 = tpu.sem_alloc : memref<!tpu.dma_semaphore, #tpu.memory_space<semaphore_mem>>
      %dma_start3A_63 = arith.constant 0 : i32
      %dma_start3A_64 = tpu.memref_slice %arg8[%arg0, %mul3A_61, %dma_start3A_63] : memref<2x10112x128xf32, #tpu.memory_space<hbm>> -> memref<1x632x128xf32, #tpu.memory_space<hbm>>
      %dma_start3A_65 = tpu.memref_squeeze %dma_start3A_64 : memref<1x632x128xf32, #tpu.memory_space<hbm>> -> memref<632x128xf32, #tpu.memory_space<hbm>>
      %dma_start3A_66 = arith.constant 0 : i32
      %dma_start3A_67 = tpu.memref_slice %arg16[%mul3A_61, %dma_start3A_66] : memref<10112x128xf32, #tpu.memory_space<vmem_shared>> -> memref<632x128xf32, #tpu.memory_space<vmem_shared>>
      tpu.enqueue_dma source(%dma_start3A_67 : memref<632x128xf32, #tpu.memory_space<vmem_shared>>) target(%dma_start3A_65 : memref<632x128xf32, #tpu.memory_space<hbm>>) target_semaphore(%run_scoped3A_62 : memref<!tpu.dma_semaphore, #tpu.memory_space<semaphore_mem>>)
      %dma_wait3A = arith.constant 0 : i32
      %dma_wait3A_68 = tpu.memref_slice %arg8[%arg0, %mul3A_61, %dma_wait3A] : memref<2x10112x128xf32, #tpu.memory_space<hbm>> -> memref<1x632x128xf32, #tpu.memory_space<hbm>>
      %dma_wait3A_69 = tpu.memref_squeeze %dma_wait3A_68 : memref<1x632x128xf32, #tpu.memory_space<hbm>> -> memref<632x128xf32, #tpu.memory_space<hbm>>
      %dma_wait3A_70 = arith.constant 0 : i32
      %dma_wait3A_71 = tpu.memref_slice %arg16[%mul3A_61, %dma_wait3A_70] : memref<10112x128xf32, #tpu.memory_space<vmem_shared>> -> memref<632x128xf32, #tpu.memory_space<vmem_shared>>
      tpu.wait_dma2 semaphore(%run_scoped3A_62 : memref<!tpu.dma_semaphore, #tpu.memory_space<semaphore_mem>>) src(%dma_wait3A_71 : memref<632x128xf32, #tpu.memory_space<vmem_shared>>) dst(%dma_wait3A_69 : memref<632x128xf32, #tpu.memory_space<hbm>>)
      tpu.yield
    }) : () -> ()
    return
  }
}

module attributes {stable_mosaic.version = 14 : i64} {
  func.func @_tc_epilogue_body(%arg0: i32, %arg1: memref<2x2528x128xf32, #tpu.memory_space<vmem>>, %arg2: memref<2x2528x128xf32, #tpu.memory_space<vmem>>, %arg3: memref<128x128xf32, #tpu.memory_space<vmem>>, %arg4: memref<128x128xf32, #tpu.memory_space<vmem>>, %arg5: memref<2528x128xf32, #tpu.memory_space<vmem>>) attributes {dimension_semantics = [#tpu.dimension_semantics<arbitrary>], iteration_bounds = array<i64: 4>, scalar_prefetch = 0 : i64, scratch_operands = 0 : i64, tpu.core_type = #tpu.core_type<tc>, window_params = [{transform_indices = @transform_0, window_bounds = array<i64: 2, 2528, 128>}, {transform_indices = @transform_1, window_bounds = array<i64: 2, 2528, 128>}, {pipeline_mode = #tpu.pipeline_mode<synchronous>, transform_indices = @transform_2, window_bounds = array<i64: 128, 128>}, {pipeline_mode = #tpu.pipeline_mode<synchronous>, transform_indices = @transform_3, window_bounds = array<i64: 128, 128>}, {transform_indices = @transform_4, window_bounds = array<i64: 2528, 128>}]} {
    %get3A = arith.constant 0 : index
    %get3A_0 = arith.constant 0 : index
    %get3A_1 = arith.constant 0 : index
    %get3A_2 = vector.load %arg2[%get3A, %get3A_0, %get3A_1] : memref<2x2528x128xf32, #tpu.memory_space<vmem>>, vector<1x2528x1xf32>
    %get3A_3 = vector.shape_cast %get3A_2 : vector<1x2528x1xf32> to vector<2528x1xf32>
    %max3A = arith.constant 1.000000e+00 : f32
    %max3A_4 = vector.broadcast %max3A : f32 to vector<2528x1xf32>
    %max3A_5 = arith.maximumf %get3A_3, %max3A_4 : vector<2528x1xf32>
    %get3A_6 = arith.constant 1 : index
    %get3A_7 = arith.constant 0 : index
    %get3A_8 = arith.constant 0 : index
    %get3A_9 = vector.load %arg2[%get3A_6, %get3A_7, %get3A_8] : memref<2x2528x128xf32, #tpu.memory_space<vmem>>, vector<1x2528x1xf32>
    %get3A_10 = vector.shape_cast %get3A_9 : vector<1x2528x1xf32> to vector<2528x1xf32>
    %max3A_11 = arith.constant 1.000000e+00 : f32
    %max3A_12 = vector.broadcast %max3A_11 : f32 to vector<2528x1xf32>
    %max3A_13 = arith.maximumf %get3A_10, %max3A_12 : vector<2528x1xf32>
    %get3A_14 = arith.constant 0 : index
    %get3A_15 = arith.constant 0 : index
    %get3A_16 = arith.constant 0 : index
    %get3A_17 = vector.load %arg1[%get3A_14, %get3A_15, %get3A_16] : memref<2x2528x128xf32, #tpu.memory_space<vmem>>, vector<1x2528x128xf32>
    %get3A_18 = vector.shape_cast %get3A_17 : vector<1x2528x128xf32> to vector<2528x128xf32>
    %div3A = vector.broadcast %max3A_5 : vector<2528x1xf32> to vector<2528x128xf32>
    %div3A_19 = arith.divf %get3A_18, %div3A : vector<2528x128xf32>
    %get3A_20 = arith.constant 1 : index
    %get3A_21 = arith.constant 0 : index
    %get3A_22 = arith.constant 0 : index
    %get3A_23 = vector.load %arg1[%get3A_20, %get3A_21, %get3A_22] : memref<2x2528x128xf32, #tpu.memory_space<vmem>>, vector<1x2528x128xf32>
    %get3A_24 = vector.shape_cast %get3A_23 : vector<1x2528x128xf32> to vector<2528x128xf32>
    %div3A_25 = vector.broadcast %max3A_13 : vector<2528x1xf32> to vector<2528x128xf32>
    %div3A_26 = arith.divf %get3A_24, %div3A_25 : vector<2528x128xf32>
    %get3A_27 = arith.constant 0 : index
    %get3A_28 = arith.constant 0 : index
    %get3A_29 = vector.load %arg3[%get3A_27, %get3A_28] : memref<128x128xf32, #tpu.memory_space<vmem>>, vector<128x128xf32>
    %dot_general3A = arith.constant dense<0.000000e+00> : vector<2528x128xf32>
    %dot_general3A_30 = tpu.matmul %div3A_19, %get3A_29, %dot_general3A {dimension_numbers = #tpu.dot_dimension_numbers<[1], [0], [0], [1], [0, 0, 1, 1], [], []>, precision = #tpu.contract_precision<fp32>, transpose_lhs_hint = false} : vector<2528x128xf32>, vector<128x128xf32>, vector<2528x128xf32> -> vector<2528x128xf32>
    %get3A_31 = arith.constant 0 : index
    %get3A_32 = arith.constant 0 : index
    %get3A_33 = vector.load %arg4[%get3A_31, %get3A_32] : memref<128x128xf32, #tpu.memory_space<vmem>>, vector<128x128xf32>
    %dot_general3A_34 = arith.constant dense<0.000000e+00> : vector<2528x128xf32>
    %dot_general3A_35 = tpu.matmul %div3A_26, %get3A_33, %dot_general3A_34 {dimension_numbers = #tpu.dot_dimension_numbers<[1], [0], [0], [1], [0, 0, 1, 1], [], []>, precision = #tpu.contract_precision<fp32>, transpose_lhs_hint = false} : vector<2528x128xf32>, vector<128x128xf32>, vector<2528x128xf32> -> vector<2528x128xf32>
    %add3A = arith.addf %dot_general3A_30, %dot_general3A_35 : vector<2528x128xf32>
    %mul3A = arith.constant 5.000000e-01 : f32
    %mul3A_36 = vector.broadcast %mul3A : f32 to vector<2528x128xf32>
    %mul3A_37 = arith.mulf %mul3A_36, %add3A : vector<2528x128xf32>
    %swap3A = arith.constant 0 : index
    %swap3A_38 = arith.constant 0 : index
    %swap3A_39 = vector.load %arg5[%swap3A, %swap3A_38] : memref<2528x128xf32, #tpu.memory_space<vmem>>, vector<2528x128xf32>
    tpu.vector_store %arg5[%swap3A, %swap3A_38], %mul3A_37 {strides = array<i32>} : memref<2528x128xf32, #tpu.memory_space<vmem>>, vector<2528x128xf32>,
    return
  }
  func.func @transform_0(%arg0: i32) -> (i32, i32, i32) {
    %c0_i32 = arith.constant 0 : i32
    %c0_i32_0 = arith.constant 0 : i32
    %c0_i32_1 = arith.constant 0 : i32
    return %c0_i32, %arg0, %c0_i32_0 : i32, i32, i32
  }
  func.func @transform_1(%arg0: i32) -> (i32, i32, i32) {
    %c0_i32 = arith.constant 0 : i32
    %c0_i32_0 = arith.constant 0 : i32
    %c0_i32_1 = arith.constant 0 : i32
    return %c0_i32, %arg0, %c0_i32_0 : i32, i32, i32
  }
  func.func @transform_2(%arg0: i32) -> (i32, i32) {
    %c0_i32 = arith.constant 0 : i32
    %c0_i32_0 = arith.constant 0 : i32
    %c0_i32_1 = arith.constant 0 : i32
    return %c0_i32, %c0_i32_0 : i32, i32
  }
  func.func @transform_3(%arg0: i32) -> (i32, i32) {
    %c0_i32 = arith.constant 0 : i32
    %c0_i32_0 = arith.constant 0 : i32
    %c0_i32_1 = arith.constant 0 : i32
    return %c0_i32, %c0_i32_0 : i32, i32
  }
  func.func @transform_4(%arg0: i32) -> (i32, i32) {
    %c0_i32 = arith.constant 0 : i32
    %c0_i32_0 = arith.constant 0 : i32
    return %arg0, %c0_i32 : i32, i32
  }
}

</mosaic_0001>

<sc_bundles>
// kernel: kernel.4.cloned.1.call-start
scs
__scs_entry_jumppad:
0x0: {  	(pc) =	sbr.rel $0x88, $3  }
0x1: {  	(tag) =	ssettag $0x0;
	lr =	simm.s32 $0x1  }
0x2: {  	[smem:$0x3F9B] =	sst lr;
	_ =	strace $0xD0000000  }
0x3: {  	_ = 	snop  }
0x4: {  	_ = 	snop  }
0x5: {  	_ = 	snop  }
0x6: {  	_ = 	snop  }
0x7: {  	_ = 	snop  }
__scs_overlays_trampoline_lowered:
0x8: {  	[smem:$0x3FAA] =	sst s0  }
0x9: {  	[smem:$0x3FAB] =	sst s1  }
0xa: {  	[smem:$0x3FAC] =	sst s2  }
0xb: {  	[smem:$0x3FAD] =	sst s3  }
0xc: {  	[smem:$0x3FAE] =	sst s4  }
0xd: {  	[smem:$0x3FAF] =	sst s5  }
0xe: {  	[smem:$0x3FB0] =	sst s6  }
0xf: {  	[smem:$0x3FB1] =	sst s7  }
0x10: {  	[smem:$0x3FB2] =	sst s8  }
0x11: {  	[smem:$0x3FB3] =	sst s9;
	s0 =	simm.s32 @!p0 $0x0  }
0x12: {  	s1 =	sld [smem:$0x3F99];
	s0 =	simm.s32 @p0 $0x1  }
0x13: {  	[smem:$0x3FB4] =	sst s0;
	s0 =	simm.s32 @!p1 $0x0  }
0x14: {  	s2 =	sld [smem:$0x3F98];
	s0 =	simm.s32 @p1 $0x1  }
0x15: {  	[smem:$0x3FB5] =	sst s0;
	s0 =	simm.s32 @!p2 $0x0  }
0x16: {  	s3 =	sld [smem:$0x3FDB];
	s0 =	simm.s32 @p2 $0x1  }
0x17: {  	s4 =	simm.s32 $0x1BF5;
	[smem:$0x3FB7] =	sst s0  }
0x18: {  	s0 =	sld [smem:$0x3F9A];
	_ =	swait.ge [sflag:s4], $0x0  }
0x19: {  	s7 =	sld [smem:$0x3F9B]  }
0x1a: {  	s8 =	sadd.s32 $0xFFFFE003, lr  }
0x1b: {  	s9 =	sadd.s32 $0xFFFFFEF7, lr;
	s5 =	simm.s32 $0xFFFFFFFF;
	p2 =	slt.u32 s8, $0xFFFFF086  }
0x1c: {  	p1 =	slt.u32 s9, $0xF7A;
	s5 =	simm.s32 @!p2 $0x0  }
0x1d: {  	s5 =	simm.s32 @p1 $0x1;
	p0 =	seq.s32 s7, s2  }
0x1e: {  	s7 =	smul.u32 @!p0 $0xF7A, s2;
	p2 =	seq.s32 @!p0 s5, $0x0  }
0x1f: {  	s9 =	smul.u32 $0xF7A, s1;
	s8 =	simm.s32 @!p0 $0x1BF5;
	p2 =	por !p2, p0  }
0x20: {  	[sflag:s8] =	ssyncset.s32 @!p0 $0xFFFFF086;
	s6 =	sadd.s32 @!p0 s3, s7;
	s7 =	simm.s32 @!p0 $0x108  }
0x21: {  	s3 =	sadd.s32 s3, s9;
	s6 =	sadd.s32 @!p0 $0x88, s6;
	s7 =	simm.s32 @p2 $0x1082  }
0x22: {  	[simem:s7], [sflag:s8] =	dma.local @!p0 [hbm:s6], $0xF7A  }
0x23: {  	s9 =	sor.u32 $0xD0000000, s2;
	s6 =	simm.s32 $0x108;
	_ =	swait.ge @!p0 [sflag:s8], $0x0  }
0x24: {  	s3 =	sadd.s32 $0x88, s3;
	s6 =	simm.s32 @!p1 $0x1082;
	[sflag:s4] =	ssyncset.s32 $0xFFFFF086  }
0x25: {  	[simem:s6], [sflag:s4] =	dma.local [hbm:s3], $0xF7A  }
0x26: {  	[smem:$0x3F9B] =	sst s1;
	(tag) =	ssettag s2;
	_ =	strace s9  }
0x27: {  	s1 =	sld [smem:$0x3FAB]  }
0x28: {  	s2 =	sld [smem:$0x3FAC]  }
0x29: {  	s4 =	sld [smem:$0x3FAE]  }
0x2a: {  	p0 =	seq.s32 s5, $0x0;
	s5 =	sld [smem:$0x3FAF]  }
0x2b: {  	s6 =	sld [smem:$0x3FB0]  }
0x2c: {  	s7 =	sld [smem:$0x3FB1]  }
0x2d: {  	s3 =	simm.s32 $0x108;
	s8 =	sld [smem:$0x3FB2]  }
0x2e: {  	s3 =	simm.s32 @!p0 $0x1082;
	s9 =	sld [smem:$0x3FB3]  }
0x2f: {  	lr =	sadd.s32 s0, s3;
	s0 =	sld [smem:$0x3FAA]  }
0x30: {  	s3 =	sld [smem:$0x3FAD]  }
0x31: {  	[smem:$0x3FB6] =	sst s10  }
0x32: {  	s10 =	sld [smem:$0x3FB4];
	_ =	sdelay $0x3  }
0x33: {  	p0 =	seq.s32 s10, $0x1;
	s10 =	sld [smem:$0x3FB6];
	_ =	sdelay $0x3  }
0x34: {  	[smem:$0x3FB6] =	sst s10  }
0x35: {  	s10 =	sld [smem:$0x3FB5];
	_ =	sdelay $0x3  }
0x36: {  	p1 =	seq.s32 s10, $0x1;
	s10 =	sld [smem:$0x3FB6];
	_ =	sdelay $0x3  }
0x37: {  	[smem:$0x3FB6] =	sst s10  }
0x38: {  	s10 =	sld [smem:$0x3FB7]  }
0x39: {  	_ = 	snop;
	(pc) =	sbr.ind lr, $3  }
0x3a: {  	_ = 	snop  }
0x3b: {  	_ = 	snop  }
0x3c: {  	p2 =	seq.s32 s10, $0x1;
	s10 =	sld [smem:$0x3FB6]  }
0x3d: {  	_ =	shalt  }
0x3e: {  	_ =	shalt  }
0x3f: {  	_ =	shalt  }
0x40: {  	_ =	shalt  }
0x41: {  	_ =	shalt  }
0x42: {  	_ =	shalt  }
0x43: {  	_ =	shalt  }
0x44: {  	_ =	shalt  }
0x45: {  	_ =	shalt  }
0x46: {  	_ =	shalt  }
0x47: {  	_ =	shalt  }
0x48: {  	_ =	shalt  }
0x49: {  	_ =	shalt  }
0x4a: {  	_ =	shalt  }
0x4b: {  	_ =	shalt  }
0x4c: {  	_ =	shalt  }
0x4d: {  	_ =	shalt  }
0x4e: {  	_ =	shalt  }
0x4f: {  	_ =	shalt  }
0x50: {  	_ =	shalt  }
0x51: {  	_ =	shalt  }
0x52: {  	_ =	shalt  }
0x53: {  	_ =	shalt  }
0x54: {  	_ =	shalt  }
0x55: {  	_ =	shalt  }
0x56: {  	_ =	shalt  }
0x57: {  	_ =	shalt  }
0x58: {  	_ =	shalt  }
0x59: {  	_ =	shalt  }
0x5a: {  	_ =	shalt  }
0x5b: {  	_ =	shalt  }
0x5c: {  	_ =	shalt  }
0x5d: {  	_ =	shalt  }
0x5e: {  	_ =	shalt  }
0x5f: {  	_ =	shalt  }
0x60: {  	_ =	shalt  }
0x61: {  	_ =	shalt  }
0x62: {  	_ =	shalt  }
0x63: {  	_ =	shalt  }
0x64: {  	_ =	shalt  }
0x65: {  	_ =	shalt  }
0x66: {  	_ =	shalt  }
0x67: {  	_ =	shalt  }
0x68: {  	_ =	shalt  }
0x69: {  	_ =	shalt  }
0x6a: {  	_ =	shalt  }
0x6b: {  	_ =	shalt  }
0x6c: {  	_ =	shalt  }
0x6d: {  	_ =	shalt  }
0x6e: {  	_ =	shalt  }
0x6f: {  	_ =	shalt  }
0x70: {  	_ =	shalt  }
0x71: {  	_ =	shalt  }
0x72: {  	_ =	shalt  }
0x73: {  	_ =	shalt  }
0x74: {  	_ =	shalt  }
0x75: {  	_ =	shalt  }
0x76: {  	_ =	shalt  }
0x77: {  	_ =	shalt  }
0x78: {  	_ =	shalt  }
0x79: {  	_ =	shalt  }
0x7a: {  	_ =	shalt  }
0x7b: {  	_ =	shalt  }
0x7c: {  	_ =	shalt  }
0x7d: {  	_ =	shalt  }
0x7e: {  	_ =	shalt  }
0x7f: {  	_ =	shalt  }
0x80: {  	_ =	shalt  }
0x81: {  	_ =	shalt  }
0x82: {  	_ =	shalt  }
0x83: {  	_ =	shalt  }
0x84: {  	_ =	shalt  }
0x85: {  	_ =	shalt  }
0x86: {  	_ =	shalt  }
0x87: {  	_ =	shalt  }
.Lfunc_end0:
.L_simem_size_0:
called_computation_lowered:
.L_overlay_start_0:
0x88: {  	s2 =	sld [smem:$0x3FD9]  }
0x89: {  	s3 =	sld [smem:$0x3FFE];
	_ =	sdelay $0x1  }
0x8a: {  	s1 =	srdreg.scid  }
0x8b: {  	s0 =	sand.u32 $0x1, s1  }
0x8c: {  	s17 =	sshll.u32 s0, $0xA;
	s2 =	sadd.s32 s3, s2  }
0x8d: {  	s2 =	sadd.s32 s2, s17  }
0x8e: {  	[smem:$0x3FC2] =	sst s2  }
0x8f: {  	_ = 	snop  }
0x90: {  	s2 =	sld [smem:$0x3FD0];
	(tm) =	ssettm $0x1  }
0x91: {  	s18 =	sld [smem:$0x3FFB];
	_ =	sdelay $0x3  }
0x92: {  	_ =	strace s18  }
0x93: {  	s3 =	sld [smem:$0x3FFC];
	_ =	sdelay $0x3  }
0x94: {  	_ =	strace s3  }
0x95: {  	s3 =	sld [smem:$0x3FFD];
	_ =	sdelay $0x3  }
0x96: {  	_ =	strace s3  }
0x97: {  	_ =	strace $0x8FFFFFFF  }
0x98: {  	s19 =	sld [smem:$0x3FDB];
	_ =	sdelay $0x1  }
0x99: {  	s4 =	simm.s32 $_scs_section_size  }
0x9a: {  	s5 =	simm.s32 $_size__tile_overlayer_lowered;
	s6 =	simm.s32 $_tile_overlayer_lowered  }
0x9b: {  	s22 =	simm.s32 $0x1BFF;
	s21 =	sshll.u32 s6, $0x1;
	s3 =	sadd.s32 s4, s19  }
0x9c: {  	s7 =	simm.s32 $0x0;
	s20 =	sshll.u32 s5, $0x1;
	s5 =	sadd.s32 s21, s3  }
0x9d: {  	[timem:s7], [sflag:s22] =	dma.local [hbm:s5], s20  }
0x9e: {  	_ =	swait.ge [sflag:s22], s20  }
0x9f: {  	s4 =	ssub.s32 $0x0, s20;
	[sflag:s22] =	ssyncset.done $0x0  }
0xa0: {  	[sflag:s22] =	ssyncadd.s32 s4;
	_ =	sdelay $0x1  }
0xa1: {  	s23 =	simm.s32 $0x1B8B  }
0xa2: {  	_ =	swait.ge [sflag:s23], $0x1  }
0xa3: {  	[sflag:s23] =	ssyncset.done $0x0  }
0xa4: {  	s25 =	simm.s32 $0x1B8E;
	s24 =	sld [smem:$0x3FFE];
	[sflag:s23] =	ssyncadd.s32 $0xFFFFFFFF  }
0xa5: {  	s26 =	simm.s32 $execute0_lowered;
	[smem:$0x3FD2] =	sst s25  }
0xa6: {  	s5 =	sshll.u32 s26, $0x1;
	_ =	strace $0x80000046;
	[dreg:$0x1] =	wrdreg $0xFFFFFFFF  }
0xa7: {  	s28 =	simm.s32 $_size_execute0_lowered;
	s3 =	sadd.s32 s3, s5;
	[dreg:$0x0] =	wrdreg $0x0  }
0xa8: {  	s5 =	sshll.u32 s28, $0x1;
	[dreg:$0x2] =	wrdreg s3  }
0xa9: {  	[dreg:$0x3] =	wrdreg s5  }
0xaa: {  	[dreg:$0x4] =	wrdreg $0xC0  }
0xab: {  	_ =	task [dreg:s7], $0x5FFFF  }
0xac: {  	[dreg:$0x1] =	wrdreg $0xFFFFFFFF  }
0xad: {  	[dreg:$0x0] =	wrdreg $0x60  }
0xae: {  	[dreg:$0x2] =	wrdreg s24  }
0xaf: {  	[dreg:$0x3] =	wrdreg s2  }
0xb0: {  	[dreg:$0x4] =	wrdreg $0xBC000  }
0xb1: {  	[dreg:$0x5] =	wrdreg $0x9  }
0xb2: {  	_ =	task.clear_ibuf [dreg:s7], $0x6FFFF;
	_ =	strace $0x90000046  }
0xb3: {  	s29 =	simm.s32 $0x9;
	_ =	strace $0x80000048  }
0xb4: {  	_ =	swait.ge [sflag:s29], $0x1  }
0xb5: {  	[sflag:s29] =	ssyncadd.s32 $0xFFFFFFFF  }
0xb6: {  	_ =	strace $0x90000048  }
0xb7: {  	_ =	sfence  }
0xb8: {  	s30 =	sld [smem:$0x0];
	_ =	sdelay $0x2  }
0xb9: {  	s31 =	sshll.u32 s1, $0xD;
	s1 =	sshrl.u32 s1, $0x2  }
0xba: {  	s3 =	sand.u32 $0x4000, s31;
	s1 =	sadd.s32 s1, s30  }
0xbb: {  	s0 =	sor.u32 s3, s0;
	s1 =	sshll.u32 s1, $0x11  }
0xbc: {  	s0 =	sor.u32 s1, s0  }
0xbd: {  	s0 =	sadd.s32 $0x8F2B, s0  }
0xbe: {  	[sflag:s0] =	ssyncadd.remote.s32 $0x1  }
0xbf: {  	_ =	sfence.sel $0xFFFF  }
0xc0: {  	[dreg:$0x0] =	wrdreg $0xFFFFFFFF;
	(pc) =	sbr.abs _section_cstart, $3  }
0xc1: {  	[dreg:$0x1] =	wrdreg $0xFFFFFFFF  }
0xc2: {  	_ =	task.clear_ibuf [dreg:s7], $0x2FFFF;
	_ =	strace $0x9FFFFFFF  }
0xc3: {  	(tm) =	ssettm $0x7FFFFFFF  }
tec
execute0_lowered:
.L_overlay_start_1:
0x0: {  	(tag) =	ssettag $0x1  }
0x1: {  	s0 =	rddreg [dreg:$0x0]  }
0x2: {  	s1 =	rddreg [dreg:$0x1]  }
0x3: {  	s2 =	rddreg [dreg:$0x2];
	s4 =	simm.s32 $0x0;
	s3 =	srdreg.scid  }
0x4: {  	s10 =	stileid.u32;
	s28 =	simm.s32 $0x5C00;
	s29 =	simm.s32 $0x3  }
0x5: {  	s30 =	simm.s32 $0x1;
	s31 =	simm.s32 $0x4;
	s8 =	smul.u32 $0x13C00, s10  }
0x6: {  	[smem:$0x7FF] =	sst s4;
	s3 =	sand.u32 $0x1, s3;
	s9 =	smul.u32 $0x4F000, s10  }
0x7: {  	s5 =	sadd.s32 $0x1000, s0;
	s6 =	sadd.s32 $0x4F200, s0;
	s10 =	smul.u32 $0x7800, s10  }
0x8: {  	s11 =	sadd.s32 $0x6D200, s0;
	s18 =	sadd.s32 $0x6D400, s0;
	s7 =	smul.u32 $0x13C000, s3  }
0x9: {  	_ =	strace $0x80000047;
	[dreg:$0x4] =	wrdreg s11;
	s17 =	smul.u32 $0x78000, s3  }
0xa: {  	[dreg:$0x5] =	wrdreg s18;
	s3 =	ssub.s32 $0x2, s3;
	s19 =	sshrl.u32 s9, $0x2  }
0xb: {  	s20 =	sshrl.u32 s3, $0x1;
	s7 =	sadd.s32 s8, s7;
	s9 =	sadd.s32 s19, s2  }
0xc: {  	s10 =	sadd.s32 s10, s17;
	s3 =	ssub.s32 s3, s20;
	s19 =	simm.s32 $0xB400  }
0xd: {  	s20 =	simm.s32 $0x7;
	s8 =	simm.s32 $0x0;
	s7 =	sshrl.u32 s7, $0x3  }
0xe: {  	s13 =	sadd.s32 $0x13800, s9;
	s21 =	sshrl.u32 s10, $0x3;
	s26 =	smax.u32 s3, $0x1  }
0xf: {  	s0 =	sadd.s32 s7, s0;
	s22 =	sadd.s32 s1, s21;
	[dreg:$0xc] =	wrdreg s26  }
0x10: {  	s23 =	sadd.s32 s6, s21;
	s7 =	sor.u32 $0x10, s21;
	[dreg:$0x6] =	wrdreg s22  }
0x11: {  	s3 =	simm.s32 $0x5;
	[dreg:$0x7] =	wrdreg s23;
	s24 =	sadd.s32 s1, s7  }
0x12: {  	s21 =	simm.s32 $0x80;
	s7 =	sadd.s32 s6, s7;
	[dreg:$0x8] =	wrdreg s24  }
0x13: {  	s26 =	simm.s32 $0x2;
	s25 =	sadd.s32 $0x6E000, s0;
	[dreg:$0x9] =	wrdreg s7  }
0x14: {  	s0 =	sadd.s32 $0xBD000, s0;
	s22 =	simm.s32 $0x400;
	[dreg:$0xa] =	wrdreg s25  }
0x15: {  	s23 =	simm.s32 $0x200;
	[dreg:$0xb] =	wrdreg s0;
	s24 =	simm.s32 $0x100  }
0x16: {  	s25 =	simm.s32 $0xB0;
	s0 =	simm.s32 $0x300;
	s7 =	simm.s32 $0x6  }
.LBB2_1:
0x17: {  	s11 =	rddreg [dreg:$0x4]  }
0x18: {  	[tilespmem:s19], [sflag:$0x7] =	stream.linear.gather [hbm4b:s11+s4], $0x800, $0x38;
	[tilespmem:$0x1F800] =	vst v63  }
0x19: {  	_ =	swait.ge [sflag:s20], $0x800  }
0x1a: {  	[sflag:s20] =	ssyncset.done $0x0  }
0x1b: {  	s12 =	sadd.s32 $0x0, s9;
	[sflag:s20] =	ssyncadd.s32 $0xFFFFF800  }
0x1c: {  	[spmem:s12] =	stream.linear.scatter [tilespmem:s19], [sflag:$0x7], $0x800, $0x38;
	[tilespmem:$0x1F800] =	vst v63  }
0x1d: {  	s12 =	simm.s32 $0x2000;
	_ =	swait.ge [sflag:s20], $0x800  }
.LBB2_2:
0x1e: {  	s14 =	sshra.s32 s12, $0x2;
	[sflag:s20] =	ssyncset.done $0x0;
	p0 =	sne.s32 s12, $0x4C000  }
.Ltmp0:
0x1f: {  	s14 =	sadd.s32 s14, s9;
	[sflag:s20] =	ssyncadd.s32 $0xFFFFF800;
	(pc) =	sbr.rel @p0 .LBB2_2-.Ltmp0, $3  }
0x20: {  	[spmem:s14] =	stream.linear.scatter [tilespmem:s19], [sflag:$0x7], $0x800, $0x38;
	[tilespmem:$0x1F800] =	vst v63  }
0x21: {  	s12 =	sadd.s32 $0x2000, s12;
	_ =	sdelay $0x1  }
0x22: {  	_ =	swait.ge [sflag:s20], $0x800  }
0x23: {  	[sflag:s20] =	ssyncset.done $0x0  }
0x24: {  	[sflag:s20] =	ssyncadd.s32 $0xFFFFF800  }
0x25: {  	[spmem:s13] =	stream.linear.scatter [tilespmem:s19], [sflag:$0x7], $0x400, $0x38;
	[tilespmem:$0x1F800] =	vst v63  }
0x26: {  	_ =	swait.ge [sflag:s20], $0x400  }
0x27: {  	[sflag:s20] =	ssyncset.done $0x0  }
0x28: {  	[sflag:s20] =	ssyncadd.s32 $0xFFFFFC00  }
0x29: {  	[bflag:$0x0] =	sbarrier.arrive $0xFFFF  }
0x2a: {  	s11 =	rddreg [dreg:$0x6]  }
0x2b: {  	[tilespmem:s4], [sflag:$0x7] =	stream.strided.gather [hbm4b:s11+s21], $0x100, s22, s21, $0x38;
	[tilespmem:$0x1F800] =	vst v63  }
0x2c: {  	_ =	swait.ge [sflag:s20], $0x100  }
0x2d: {  	[sflag:s20] =	ssyncset.done $0x0  }
0x2e: {  	s15 =	rddreg [dreg:$0x7];
	[sflag:s20] =	ssyncadd.s32 $0xFFFFFF00  }
0x2f: {  	[tilespmem:s23], [sflag:$0x7] =	stream.strided.gather [hbm4b:s15+s21], $0x100, s22, s21, $0x38;
	[tilespmem:$0x1F800] =	vst v63  }
0x30: {  	_ =	swait.ge [sflag:s20], $0x100  }
0x31: {  	[sflag:s20] =	ssyncset.done $0x0  }
0x32: {  	s16 =	rddreg [dreg:$0x8];
	[sflag:s20] =	ssyncadd.s32 $0xFFFFFF00  }
0x33: {  	[tilespmem:s24], [sflag:$0x2] =	stream.strided.gather [hbm4b:s16+s21], $0x100, s22, s21, $0x38;
	[tilespmem:$0x1F800] =	vst v63  }
0x34: {  	s12 =	simm.s32 $0x300;
	s17 =	rddreg [dreg:$0x9]  }
0x35: {  	[tilespmem:s12], [sflag:$0x2] =	stream.strided.gather [hbm4b:s17+s21], $0x100, s22, s21, $0x38;
	[tilespmem:$0x1F800] =	vst v63  }
0x36: {  	_ = 	snop  }
0x37: {  	[tilespmem:s22], [sflag:$0x3] =	stream.indirect.gather [hbm4b:s5+s25], $0x80, s4, s25, $0xb8;
	[tilespmem:$0x1F800] =	vst v63  }
0x38: {  	_ =	swait.ge [sflag:s26], $0x100  }
0x39: {  	[sflag:s26] =	ssyncset.done $0x0  }
0x3a: {  	[sflag:s26] =	ssyncadd.s32 $0xFFFFFF00  }
0x3b: {  	_ =	swait.ge [sflag:s26], $0x100  }
0x3c: {  	[sflag:s26] =	ssyncset.done $0x0  }
0x3d: {  	[sflag:s26] =	ssyncadd.s32 $0xFFFFFF00  }
0x3e: {  	[tilespmem:s28], [sflag:$0x4] =	stream.indirect.gather [hbm4b:s5+s25], $0x80, s24, s25, $0xb8;
	[tilespmem:$0x1F800] =	vst v63  }
0x3f: {  	s14 =	simm.s32 $0x200;
	_ =	swait.ge [sflag:s29], $0x5800  }
0x40: {  	s14 =	sand.u32 $0xF800, s14;
	s16 =	simm.s32 $0x100;
	[sflag:s29] =	ssyncset.done $0x0  }
0x41: {  	s14 =	sadd.s32 s10, s14;
	s16 =	sand.u32 $0x300, s16;
	[sflag:s29] =	ssyncadd.s32 $0xFFFFA800  }
0x42: {  	[spmem:s2] =	stream.indirect.scatter.add.f32 [tilespmem:s22], [sflag:$0x7], $0x80, s23, s25, $0xb8;
	[tilespmem:$0x1F800] =	vst v63  }
0x43: {  	s14 =	sor.u32 s16, s14;
	_ =	swait.ge [sflag:s20], $0x5800  }
0x44: {  	s14 =	sshrl.u32 s14, $0x3;
	[sflag:s20] =	ssyncset.done $0x0  }
0x45: {  	s18 =	sadd.s32 s1, s14;
	[sflag:s20] =	ssyncadd.s32 $0xFFFFA800  }
0x46: {  	[tilespmem:s4], [sflag:$0x1] =	stream.strided.gather [hbm4b:s18+s21], $0x100, s22, s21, $0x38;
	[tilespmem:$0x1F800] =	vst v63  }
0x47: {  	s14 =	sadd.s32 s6, s14  }
0x48: {  	[tilespmem:s23], [sflag:$0x1] =	stream.strided.gather [hbm4b:s14+s21], $0x100, s22, s21, $0x38;
	[tilespmem:$0x1F800] =	vst v63  }
0x49: {  	_ =	swait.ge [sflag:s30], $0x100  }
0x4a: {  	[sflag:s30] =	ssyncset.done $0x0  }
0x4b: {  	[sflag:s30] =	ssyncadd.s32 $0xFFFFFF00  }
0x4c: {  	_ =	swait.ge [sflag:s30], $0x100  }
0x4d: {  	[sflag:s30] =	ssyncset.done $0x0  }
0x4e: {  	[sflag:s30] =	ssyncadd.s32 $0xFFFFFF00  }
0x4f: {  	[tilespmem:s22], [sflag:$0x3] =	stream.indirect.gather [hbm4b:s5+s25], $0x80, s4, s25, $0xb8;
	[tilespmem:$0x1F800] =	vst v63  }
0x50: {  	_ =	swait.ge [sflag:s31], $0x5800  }
0x51: {  	s11 =	simm.s32 $0x180;
	s12 =	sand.u32 $0xF800, s12;
	[sflag:s31] =	ssyncset.done $0x0  }
0x52: {  	s12 =	sadd.s32 s10, s12;
	s14 =	sand.u32 $0x380, s11;
	[sflag:s31] =	ssyncadd.s32 $0xFFFFA800  }
0x53: {  	[spmem:s2] =	stream.indirect.scatter.add.f32 [tilespmem:s28], [sflag:$0x7], $0x80, s0, s25, $0xb8;
	[tilespmem:$0x1F800] =	vst v63  }
0x54: {  	s12 =	sor.u32 s14, s12;
	_ =	swait.ge [sflag:s20], $0x5800  }
0x55: {  	s12 =	sshrl.u32 s12, $0x3;
	[sflag:s20] =	ssyncset.done $0x0  }
0x56: {  	s15 =	sadd.s32 s1, s12;
	[sflag:s20] =	ssyncadd.s32 $0xFFFFA800  }
0x57: {  	[tilespmem:s24], [sflag:$0x2] =	stream.strided.gather [hbm4b:s15+s21], $0x100, s22, s21, $0x38;
	[tilespmem:$0x1F800] =	vst v63  }
0x58: {  	s12 =	sadd.s32 s6, s12  }
0x59: {  	[tilespmem:s0], [sflag:$0x2] =	stream.strided.gather [hbm4b:s12+s21], $0x100, s22, s21, $0x38;
	[tilespmem:$0x1F800] =	vst v63  }
0x5a: {  	_ =	swait.ge [sflag:s26], $0x100  }
0x5b: {  	[sflag:s26] =	ssyncset.done $0x0  }
0x5c: {  	[sflag:s26] =	ssyncadd.s32 $0xFFFFFF00  }
0x5d: {  	s16 =	simm.s32 $0x400;
	_ =	swait.ge [sflag:s26], $0x100  }
0x5e: {  	s18 =	simm.s32 $0x200;
	s14 =	sand.u32 $0xF800, s16;
	[sflag:s26] =	ssyncset.done $0x0  }
0x5f: {  	s16 =	sand.u32 $0x300, s18;
	s14 =	sadd.s32 s10, s14;
	[sflag:s26] =	ssyncadd.s32 $0xFFFFFF00  }
0x60: {  	[tilespmem:s28], [sflag:$0x4] =	stream.indirect.gather [hbm4b:s5+s25], $0x80, s24, s25, $0xb8;
	[tilespmem:$0x1F800] =	vst v63  }
0x61: {  	s17 =	simm.s32 $0x700;
	s18 =	sor.u32 s16, s14;
	_ =	swait.ge [sflag:s29], $0x5800  }
0x62: {  	s14 =	simm.s32 $0x280;
	s12 =	simm.s32 $0x500;
	[sflag:s29] =	ssyncset.done $0x0  }
.LBB2_4:
0x63: {  	s18 =	sshrl.u32 s18, $0x3  }
0x64: {  	[sflag:s29] =	ssyncadd.s32 $0xFFFFA800;
	s11 =	smov.u32 s17;
	s16 =	sadd.s32 $0x200, s17  }
0x65: {  	[spmem:s2] =	stream.indirect.scatter.add.f32 [tilespmem:s22], [sflag:$0x7], $0x80, s23, s25, $0xb8;
	[tilespmem:$0x1F800] =	vst v63  }
0x66: {  	p0 =	sne.s32 s17, $0x7100;
	_ =	swait.ge [sflag:s20], $0x5800  }
0x67: {  	[sflag:s20] =	ssyncset.done $0x0  }
0x68: {  	s17 =	sadd.s32 s1, s18;
	[sflag:s20] =	ssyncadd.s32 $0xFFFFA800  }
0x69: {  	[tilespmem:s4], [sflag:$0x1] =	stream.strided.gather [hbm4b:s17+s21], $0x100, s22, s21, $0x38;
	[tilespmem:$0x1F800] =	vst v63  }
0x6a: {  	s17 =	sadd.s32 s6, s18  }
0x6b: {  	[tilespmem:s23], [sflag:$0x1] =	stream.strided.gather [hbm4b:s17+s21], $0x100, s22, s21, $0x38;
	[tilespmem:$0x1F800] =	vst v63  }
0x6c: {  	_ =	swait.ge [sflag:s30], $0x100  }
0x6d: {  	[sflag:s30] =	ssyncset.done $0x0  }
0x6e: {  	[sflag:s30] =	ssyncadd.s32 $0xFFFFFF00  }
0x6f: {  	_ =	swait.ge [sflag:s30], $0x100  }
0x70: {  	[sflag:s30] =	ssyncset.done $0x0  }
0x71: {  	[sflag:s30] =	ssyncadd.s32 $0xFFFFFF00  }
0x72: {  	[tilespmem:s22], [sflag:$0x3] =	stream.indirect.gather [hbm4b:s5+s25], $0x80, s4, s25, $0xb8;
	[tilespmem:$0x1F800] =	vst v63  }
0x73: {  	_ =	swait.ge [sflag:s31], $0x5800  }
0x74: {  	[sflag:s31] =	ssyncset.done $0x0  }
0x75: {  	s17 =	sand.u32 $0xF800, s12;
	s12 =	smov.u32 s11;
	[sflag:s31] =	ssyncadd.s32 $0xFFFFA800  }
0x76: {  	[spmem:s2] =	stream.indirect.scatter.add.f32 [tilespmem:s28], [sflag:$0x7], $0x80, s0, s25, $0xb8;
	[tilespmem:$0x1F800] =	vst v63  }
0x77: {  	s11 =	sadd.s32 s10, s17;
	s17 =	sand.u32 $0x380, s14;
	_ =	swait.ge [sflag:s20], $0x5800  }
0x78: {  	s11 =	sor.u32 s17, s11;
	[sflag:s20] =	ssyncset.done $0x0  }
0x79: {  	s11 =	sshrl.u32 s11, $0x3;
	[sflag:s20] =	ssyncadd.s32 $0xFFFFA800  }
0x7a: {  	s17 =	sadd.s32 s1, s11  }
0x7b: {  	[tilespmem:s24], [sflag:$0x2] =	stream.strided.gather [hbm4b:s17+s21], $0x100, s22, s21, $0x38;
	[tilespmem:$0x1F800] =	vst v63  }
0x7c: {  	s11 =	sadd.s32 s6, s11  }
0x7d: {  	[tilespmem:s0], [sflag:$0x2] =	stream.strided.gather [hbm4b:s11+s21], $0x100, s22, s21, $0x38;
	[tilespmem:$0x1F800] =	vst v63  }
0x7e: {  	_ =	swait.ge [sflag:s26], $0x100  }
0x7f: {  	[sflag:s26] =	ssyncset.done $0x0  }
0x80: {  	[sflag:s26] =	ssyncadd.s32 $0xFFFFFF00  }
0x81: {  	s14 =	sadd.s32 $0x100, s14;
	_ =	swait.ge [sflag:s26], $0x100  }
.Ltmp1:
0x82: {  	s11 =	sadd.s32 $0xFFFFFF00, s12;
	[sflag:s26] =	ssyncset.done $0x0;
	(pc) =	sbr.rel @p0 .LBB2_4-.Ltmp1, $4  }
0x83: {  	s17 =	sadd.s32 $0xFFFFFF80, s14;
	s11 =	sand.u32 $0xF800, s11;
	[sflag:s26] =	ssyncadd.s32 $0xFFFFFF00  }
0x84: {  	[tilespmem:s28], [sflag:$0x4] =	stream.indirect.gather [hbm4b:s5+s25], $0x80, s24, s25, $0xb8;
	[tilespmem:$0x1F800] =	vst v63  }
0x85: {  	s17 =	sand.u32 $0x300, s17;
	s11 =	sadd.s32 s10, s11;
	_ =	swait.ge [sflag:s29], $0x5800  }
0x86: {  	s18 =	sor.u32 s17, s11;
	s17 =	smov.u32 s16;
	[sflag:s29] =	ssyncset.done $0x0  }
0x87: {  	[sflag:s29] =	ssyncadd.s32 $0xFFFFA800  }
0x88: {  	[spmem:s2] =	stream.indirect.scatter.add.f32 [tilespmem:s22], [sflag:$0x7], $0x80, s23, s25, $0xb8;
	[tilespmem:$0x1F800] =	vst v63  }
0x89: {  	_ =	swait.ge [sflag:s20], $0x5800  }
0x8a: {  	s11 =	sshrl.u32 s18, $0x3;
	[sflag:s20] =	ssyncset.done $0x0  }
0x8b: {  	s16 =	sadd.s32 s1, s11;
	[sflag:s20] =	ssyncadd.s32 $0xFFFFA800  }
0x8c: {  	[tilespmem:s4], [sflag:$0x1] =	stream.strided.gather [hbm4b:s16+s21], $0x100, s22, s21, $0x38;
	[tilespmem:$0x1F800] =	vst v63  }
0x8d: {  	s11 =	sadd.s32 s6, s11  }
0x8e: {  	[tilespmem:s23], [sflag:$0x1] =	stream.strided.gather [hbm4b:s11+s21], $0x100, s22, s21, $0x38;
	[tilespmem:$0x1F800] =	vst v63  }
0x8f: {  	_ =	swait.ge [sflag:s30], $0x100  }
0x90: {  	[sflag:s30] =	ssyncset.done $0x0  }
0x91: {  	[sflag:s30] =	ssyncadd.s32 $0xFFFFFF00  }
0x92: {  	_ =	swait.ge [sflag:s30], $0x100  }
0x93: {  	[sflag:s30] =	ssyncset.done $0x0  }
0x94: {  	[sflag:s30] =	ssyncadd.s32 $0xFFFFFF00  }
0x95: {  	[tilespmem:s22], [sflag:$0x3] =	stream.indirect.gather [hbm4b:s5+s25], $0x80, s4, s25, $0xb8;
	[tilespmem:$0x1F800] =	vst v63  }
0x96: {  	_ =	swait.ge [sflag:s31], $0x5800  }
0x97: {  	s12 =	sand.u32 $0xF800, s12;
	[sflag:s31] =	ssyncset.done $0x0  }
0x98: {  	s14 =	sand.u32 $0x380, s14;
	s11 =	sadd.s32 s10, s12;
	[sflag:s31] =	ssyncadd.s32 $0xFFFFA800  }
0x99: {  	[spmem:s2] =	stream.indirect.scatter.add.f32 [tilespmem:s28], [sflag:$0x7], $0x80, s0, s25, $0xb8;
	[tilespmem:$0x1F800] =	vst v63  }
0x9a: {  	s11 =	sor.u32 s14, s11;
	_ =	swait.ge [sflag:s20], $0x5800  }
0x9b: {  	s11 =	sshrl.u32 s11, $0x3;
	[sflag:s20] =	ssyncset.done $0x0  }
0x9c: {  	s15 =	sadd.s32 s1, s11;
	[sflag:s20] =	ssyncadd.s32 $0xFFFFA800  }
0x9d: {  	[tilespmem:s24], [sflag:$0x2] =	stream.strided.gather [hbm4b:s15+s21], $0x100, s22, s21, $0x38;
	[tilespmem:$0x1F800] =	vst v63  }
0x9e: {  	s11 =	sadd.s32 s6, s11  }
0x9f: {  	[tilespmem:s0], [sflag:$0x2] =	stream.strided.gather [hbm4b:s11+s21], $0x100, s22, s21, $0x38;
	[tilespmem:$0x1F800] =	vst v63  }
0xa0: {  	_ =	swait.ge [sflag:s26], $0x100  }
0xa1: {  	[sflag:s26] =	ssyncset.done $0x0  }
0xa2: {  	[sflag:s26] =	ssyncadd.s32 $0xFFFFFF00  }
0xa3: {  	_ =	swait.ge [sflag:s26], $0x100  }
0xa4: {  	[sflag:s26] =	ssyncset.done $0x0  }
0xa5: {  	[sflag:s26] =	ssyncadd.s32 $0xFFFFFF00  }
0xa6: {  	[tilespmem:s28], [sflag:$0x4] =	stream.indirect.gather [hbm4b:s5+s25], $0x80, s24, s25, $0xb8;
	[tilespmem:$0x1F800] =	vst v63  }
0xa7: {  	_ =	swait.ge [sflag:s29], $0x5800  }
0xa8: {  	[sflag:s29] =	ssyncset.done $0x0  }
0xa9: {  	[sflag:s29] =	ssyncadd.s32 $0xFFFFA800  }
0xaa: {  	[spmem:s2] =	stream.indirect.scatter.add.f32 [tilespmem:s22], [sflag:$0x7], $0x80, s23, s25, $0xb8;
	[tilespmem:$0x1F800] =	vst v63  }
0xab: {  	_ =	swait.ge [sflag:s20], $0x5800  }
0xac: {  	[sflag:s20] =	ssyncset.done $0x0  }
0xad: {  	[sflag:s20] =	ssyncadd.s32 $0xFFFFA800  }
0xae: {  	_ =	swait.ge [sflag:s31], $0x5800  }
0xaf: {  	[sflag:s31] =	ssyncset.done $0x0  }
0xb0: {  	[sflag:s31] =	ssyncadd.s32 $0xFFFFA800  }
0xb1: {  	[spmem:s2] =	stream.indirect.scatter.add.f32 [tilespmem:s28], [sflag:$0x7], $0x80, s0, s25, $0xb8;
	[tilespmem:$0x1F800] =	vst v63  }
0xb2: {  	_ =	swait.ge [sflag:s20], $0x5800  }
0xb3: {  	[sflag:s20] =	ssyncset.done $0x0  }
0xb4: {  	s16 =	stileid.u32;
	[sflag:s20] =	ssyncadd.s32 $0xFFFFA800  }
0xb5: {  	s11 =	sshll.u32 s16, $0x6;
	[bflag:$0x0] =	sbarrier.arrive $0xFFFF  }
0xb6: {  	s14 =	sshrl.u32 s9, $0x3;
	s12 =	sor.u32 $0x1C07, s11;
	s17 =	rddreg [dreg:$0xa]  }
0xb7: {  	[hbm:s17], [sflag:s12] =	dma.local [spmem:s14], $0x2780  }
0xb8: {  	_ =	swait.ge [sflag:s20], $0x2780  }
0xb9: {  	[sflag:s20] =	ssyncset.done $0x0  }
0xba: {  	[sflag:s20] =	ssyncadd.s32 $0xFFFFD880  }
0xbb: {  	s18 =	sadd.s32 $0x0, s9;
	[bflag:$0x0] =	sbarrier.arrive $0xFFFF  }
0xbc: {  	[spmem:s18] =	stream.linear.scatter [tilespmem:s19], [sflag:$0x7], $0x800, $0x38;
	[tilespmem:$0x1F800] =	vst v63  }
0xbd: {  	s16 =	simm.s32 $0x2000;
	_ =	swait.ge [sflag:s20], $0x800  }
.LBB2_6:
0xbe: {  	s11 =	sshra.s32 s16, $0x2;
	[sflag:s20] =	ssyncset.done $0x0;
	p0 =	sne.s32 s16, $0x4C000  }
.Ltmp2:
0xbf: {  	s11 =	sadd.s32 s11, s9;
	[sflag:s20] =	ssyncadd.s32 $0xFFFFF800;
	(pc) =	sbr.rel @p0 .LBB2_6-.Ltmp2, $3  }
0xc0: {  	[spmem:s11] =	stream.linear.scatter [tilespmem:s19], [sflag:$0x7], $0x800, $0x38;
	[tilespmem:$0x1F800] =	vst v63  }
0xc1: {  	s16 =	sadd.s32 $0x2000, s16;
	_ =	sdelay $0x1  }
0xc2: {  	_ =	swait.ge [sflag:s20], $0x800  }
0xc3: {  	[sflag:s20] =	ssyncset.done $0x0  }
0xc4: {  	[sflag:s20] =	ssyncadd.s32 $0xFFFFF800  }
0xc5: {  	[spmem:s13] =	stream.linear.scatter [tilespmem:s19], [sflag:$0x7], $0x400, $0x38;
	[tilespmem:$0x1F800] =	vst v63  }
0xc6: {  	_ =	swait.ge [sflag:s20], $0x400  }
0xc7: {  	[sflag:s20] =	ssyncset.done $0x0  }
0xc8: {  	s11 =	rddreg [dreg:$0x5];
	[sflag:s20] =	ssyncadd.s32 $0xFFFFFC00  }
0xc9: {  	[tilespmem:s22], [sflag:$0x7] =	stream.linear.gather [hbm4b:s11+s4], $0x5800, $0x38;
	[tilespmem:$0x1F800] =	vst v63  }
0xca: {  	_ =	swait.ge [sflag:s20], $0x5800  }
0xcb: {  	[sflag:s20] =	ssyncset.done $0x0  }
0xcc: {  	[sflag:s20] =	ssyncadd.s32 $0xFFFFA800  }
0xcd: {  	[bflag:$0x0] =	sbarrier.arrive $0xFFFF  }
0xce: {  	s17 =	rddreg [dreg:$0x7]  }
0xcf: {  	[tilespmem:s23], [sflag:$0x7] =	stream.strided.gather [hbm4b:s17+s21], $0x100, s22, s21, $0x38;
	[tilespmem:$0x1F800] =	vst v63  }
0xd0: {  	_ =	swait.ge [sflag:s20], $0x100  }
0xd1: {  	[sflag:s20] =	ssyncset.done $0x0  }
0xd2: {  	s18 =	simm.s32 $0x300;
	s17 =	rddreg [dreg:$0x9];
	[sflag:s20] =	ssyncadd.s32 $0xFFFFFF00  }
0xd3: {  	[tilespmem:s18], [sflag:$0x2] =	stream.strided.gather [hbm4b:s17+s21], $0x100, s22, s21, $0x38;
	[tilespmem:$0x1F800] =	vst v63  }
0xd4: {  	_ = 	snop  }
0xd5: {  	[spmem:s2] =	stream.indirect.scatter.add.f32 [tilespmem:s22], [sflag:$0x5], $0x80, s23, s25, $0xb8;
	[tilespmem:$0x1F800] =	vst v63  }
0xd6: {  	s16 =	simm.s32 $0x200;
	_ =	swait.ge [sflag:s26], $0x100  }
0xd7: {  	s16 =	sand.u32 $0xF800, s16;
	s17 =	simm.s32 $0x100;
	[sflag:s26] =	ssyncset.done $0x0  }
0xd8: {  	s16 =	sadd.s32 s10, s16;
	s17 =	sand.u32 $0x300, s17;
	[sflag:s26] =	ssyncadd.s32 $0xFFFFFF00  }
0xd9: {  	[spmem:s2] =	stream.indirect.scatter.add.f32 [tilespmem:s22], [sflag:$0x6], $0x80, s0, s25, $0xb8;
	[tilespmem:$0x1F800] =	vst v63  }
0xda: {  	s16 =	sor.u32 s17, s16;
	_ =	swait.ge [sflag:s3], $0x5800  }
0xdb: {  	s16 =	sshrl.u32 s16, $0x3;
	[sflag:s3] =	ssyncset.done $0x0  }
0xdc: {  	s16 =	sadd.s32 s6, s16;
	[sflag:s3] =	ssyncadd.s32 $0xFFFFA800  }
0xdd: {  	[tilespmem:s23], [sflag:$0x1] =	stream.strided.gather [hbm4b:s16+s21], $0x100, s22, s21, $0x38;
	[tilespmem:$0x1F800] =	vst v63  }
0xde: {  	s11 =	sand.u32 $0xF800, s18;
	s16 =	simm.s32 $0x180;
	_ =	swait.ge [sflag:s30], $0x100  }
0xdf: {  	s11 =	sadd.s32 s10, s11;
	s18 =	sand.u32 $0x380, s16;
	[sflag:s30] =	ssyncset.done $0x0  }
0xe0: {  	s11 =	sor.u32 s18, s11;
	[sflag:s30] =	ssyncadd.s32 $0xFFFFFF00  }
0xe1: {  	s15 =	smov.u32 s13;
	s11 =	sshrl.u32 s11, $0x3;
	_ =	swait.ge [sflag:s7], $0x5800  }
0xe2: {  	s17 =	simm.s32 $0x500;
	s18 =	sadd.s32 s6, s11;
	[sflag:s7] =	ssyncset.done $0x0  }
.LBB2_8:
0xe3: {  	p0 =	sne.s32 s17, $0x7100;
	[sflag:s7] =	ssyncadd.s32 $0xFFFFA800;
	s16 =	sadd.s32 $0x100, s16  }
0xe4: {  	[tilespmem:s0], [sflag:$0x2] =	stream.strided.gather [hbm4b:s18+s21], $0x100, s22, s21, $0x38;
	[tilespmem:$0x1F800] =	vst v63  }
0xe5: {  	s11 =	smov.u32 s17;
	s17 =	sadd.s32 $0x200, s17  }
0xe6: {  	[spmem:s2] =	stream.indirect.scatter.add.f32 [tilespmem:s22], [sflag:$0x5], $0x80, s23, s25, $0xb8;
	[tilespmem:$0x1F800] =	vst v63  }
0xe7: {  	s18 =	sadd.s32 $0xFFFFFF00, s11;
	_ =	swait.ge [sflag:s26], $0x100  }
0xe8: {  	s13 =	sadd.s32 $0xFFFFFF80, s16;
	s18 =	sand.u32 $0xF800, s18;
	[sflag:s26] =	ssyncset.done $0x0  }
0xe9: {  	s13 =	sand.u32 $0x300, s13;
	s18 =	sadd.s32 s10, s18;
	[sflag:s26] =	ssyncadd.s32 $0xFFFFFF00  }
0xea: {  	[spmem:s2] =	stream.indirect.scatter.add.f32 [tilespmem:s22], [sflag:$0x6], $0x80, s0, s25, $0xb8;
	[tilespmem:$0x1F800] =	vst v63  }
0xeb: {  	s13 =	sor.u32 s13, s18;
	_ =	swait.ge [sflag:s3], $0x5800  }
0xec: {  	s13 =	sshrl.u32 s13, $0x3;
	[sflag:s3] =	ssyncset.done $0x0  }
0xed: {  	s13 =	sadd.s32 s6, s13;
	[sflag:s3] =	ssyncadd.s32 $0xFFFFA800  }
0xee: {  	[tilespmem:s23], [sflag:$0x1] =	stream.strided.gather [hbm4b:s13+s21], $0x100, s22, s21, $0x38;
	[tilespmem:$0x1F800] =	vst v63  }
.Ltmp3:
0xef: {  	s11 =	sand.u32 $0xF800, s11;
	_ =	swait.ge [sflag:s30], $0x100;
	(pc) =	sbr.rel @p0 .LBB2_8-.Ltmp3, $4  }
0xf0: {  	s11 =	sadd.s32 s10, s11;
	s13 =	sand.u32 $0x380, s16;
	[sflag:s30] =	ssyncset.done $0x0  }
0xf1: {  	s11 =	sor.u32 s13, s11;
	[sflag:s30] =	ssyncadd.s32 $0xFFFFFF00  }
0xf2: {  	s11 =	sshrl.u32 s11, $0x3;
	_ =	swait.ge [sflag:s7], $0x5800  }
0xf3: {  	s18 =	sadd.s32 s6, s11;
	[sflag:s7] =	ssyncset.done $0x0  }
0xf4: {  	[sflag:s7] =	ssyncadd.s32 $0xFFFFA800  }
0xf5: {  	[tilespmem:s0], [sflag:$0x2] =	stream.strided.gather [hbm4b:s18+s21], $0x100, s22, s21, $0x38;
	[tilespmem:$0x1F800] =	vst v63  }
0xf6: {  	_ = 	snop  }
0xf7: {  	[spmem:s2] =	stream.indirect.scatter.add.f32 [tilespmem:s22], [sflag:$0x5], $0x80, s23, s25, $0xb8;
	[tilespmem:$0x1F800] =	vst v63  }
0xf8: {  	_ =	swait.ge [sflag:s26], $0x100  }
0xf9: {  	[sflag:s26] =	ssyncset.done $0x0  }
0xfa: {  	[sflag:s26] =	ssyncadd.s32 $0xFFFFFF00  }
0xfb: {  	[spmem:s2] =	stream.indirect.scatter.add.f32 [tilespmem:s22], [sflag:$0x6], $0x80, s0, s25, $0xb8;
	[tilespmem:$0x1F800] =	vst v63  }
0xfc: {  	_ =	swait.ge [sflag:s3], $0x5800  }
0xfd: {  	[sflag:s3] =	ssyncset.done $0x0  }
0xfe: {  	[sflag:s3] =	ssyncadd.s32 $0xFFFFA800  }
0xff: {  	_ =	swait.ge [sflag:s7], $0x5800  }
0x100: {  	[sflag:s7] =	ssyncset.done $0x0  }
0x101: {  	[sflag:s7] =	ssyncadd.s32 $0xFFFFA800  }
0x102: {  	[bflag:$0x0] =	sbarrier.arrive $0xFFFF  }
0x103: {  	s11 =	rddreg [dreg:$0xb]  }
0x104: {  	[hbm:s11], [sflag:s12] =	dma.local [spmem:s14], $0x2780  }
0x105: {  	_ =	swait.ge [sflag:s20], $0x2780  }
0x106: {  	s8 =	sadd.s32 $0x1, s8;
	s18 =	rddreg [dreg:$0xc]  }
0x107: {  	p0 =	sne.s32 s8, s18  }
.Ltmp4:
0x108: {  	_ = 	snop;
	(pc) =	sbr.rel @p0 .LBB2_1-.Ltmp4, $3  }
0x109: {  	_ =	sdelay $0x1  }
0x10a: {  	[sflag:s20] =	ssyncset.done $0x0  }
0x10b: {  	s13 =	smov.u32 s15;
	[sflag:s20] =	ssyncadd.s32 $0xFFFFD880  }
0x10c: {  	_ =	sfence.sel $0x180000  }
0x10d: {  	[bflag:$0x0] =	sbarrier.arrive $0xFFFF  }
0x10e: {  	_ =	strace $0x90000047  }
0x10f: {  	s0 =	stileid.u32;
	[bflag:$0x2] =	sbarrier.arrive $0xFFFF  }
0x110: {  	p0 =	sne.s32 s0, $0x0;
	s0 =	rddreg [dreg:$0x3]  }
0x111: {  	s0 =	sadd.s32 @!p0 $0x100000, s0  }
0x112: {  	[sflag:s0] =	ssyncadd.tile.s32 @!p0 $0x1;
	_ =	shalt  }
.Lfunc_end2:
_tile_overlayer_lowered:
.L_overlay_start_2:
0x113: {  	(tag) =	ssettag $0x2  }
0x114: {  	s0 =	rddreg [dreg:$0x0];
	s2 =	stileid.u32  }
0x115: {  	s1 =	rddreg [dreg:$0x1];
	p0 =	sne.s32 s2, $0x0  }
0x116: {  	s3 =	rddreg [dreg:$0x2];
	[bflag:$0x3] =	sbarrier.arrive $0xFFFF;
	s2 =	simm.s32 @!p0 $0x1C07  }
0x117: {  	[timem:s3], [sflag:s2] =	dma.local @!p0 [hbm:s0], s1  }
0x118: {  	s0 =	simm.s32 @!p0 $0x7  }
0x119: {  	_ =	swait.ge @!p0 [sflag:s0], s1  }
0x11a: {  	s1 =	ssub.s32 @!p0 $0x0, s1;
	[sflag:s0] =	ssyncset.done @!p0 $0x0  }
0x11b: {  	[sflag:s0] =	ssyncadd.s32 @!p0 s1  }
0x11c: {  	[bflag:$0x3] =	sbarrier.arrive $0xFFFF  }
0x11d: {  	_ =	shalt  }

</sc_bundles>
